<compile_context>
chip_gen: v7x
topology: tpu7x:2x2x1
jax: 0.10.2.dev20260603
libtpu: 0.0.44.dev20260713+nightly
codegen_flags: <defaults>
</compile_context>

<pallas_src>
import functools

import jax
import jax.numpy as jnp
from jax import lax
from jax.experimental import pallas as pl
from jax.experimental.pallas import tpu as pltpu
from jax.experimental.pallas import tpu_sc as plsc

_NC, _NS = 2, 16
_NW = _NC * _NS
_CHUNK = 80
_NBUF = 1
_NG = 64


def _dense1_body(x_ref, w_ref, bvec_ref, xw_ref, d_ref):
    y = jnp.dot(x_ref[...], w_ref[...], preferred_element_type=jnp.float32)
    yb = y + bvec_ref[...]
    xw_ref[...] = y[:, :64]
    a = jax.nn.relu(yb[:, 64:96])
    t = jnp.tanh(yb[:, 96:98]) * jnp.tanh(yb[:, 98:100])
    d_ref[...] = jnp.concatenate([a, t], axis=1)


def _dense1(x, w1p, bvec1, tr):
    n = x.shape[0]
    grid = n // tr
    return pl.pallas_call(
        _dense1_body,
        grid=(grid,),
        in_specs=[
            pl.BlockSpec((tr, 128), lambda i: (i, 0)),
            pl.BlockSpec((128, 128), lambda i: (0, 0)),
            pl.BlockSpec((1, 128), lambda i: (0, 0)),
        ],
        out_specs=[
            pl.BlockSpec((tr, 64), lambda i: (i, 0)),
            pl.BlockSpec((tr, 34), lambda i: (i, 0)),
        ],
        out_shape=[
            jax.ShapeDtypeStruct((n, 64), jnp.float32),
            jax.ShapeDtypeStruct((n, 34), jnp.float32),
        ],
        compiler_params=pltpu.CompilerParams(
            dimension_semantics=("parallel",)),
    )(x, w1p, bvec1)


def _dense2_body(d_ref, p_ref, bc_ref, bns_ref, bnb_ref, w_ref, bvec_ref,
                 xw_ref, d2_ref):
    spect = jax.nn.relu(p_ref[0] + p_ref[1] + bc_ref[...])
    tr = spect.shape[0]
    h1 = jnp.concatenate(
        [d_ref[:, :32], spect, d_ref[:, 32:34]], axis=1)
    h1 = h1 * bns_ref[...] + bnb_ref[...]
    h1p = jnp.concatenate([h1, jnp.zeros((tr, 30), jnp.float32)], axis=1)
    y = jnp.dot(h1p, w_ref[...], preferred_element_type=jnp.float32)
    yb = y + bvec_ref[...]
    xw_ref[...] = y[:, :64]
    a = jax.nn.relu(yb[:, 64:96])
    t = jnp.tanh(yb[:, 96:98]) * jnp.tanh(yb[:, 98:100])
    d2_ref[...] = jnp.concatenate([a, t], axis=1)


def _dense2(d1, p, bc11, bns, bnb, w2p, bvec2, tr):
    n = d1.shape[0]
    grid = n // tr
    return pl.pallas_call(
        _dense2_body,
        grid=(grid,),
        in_specs=[
            pl.BlockSpec((tr, 34), lambda i: (i, 0)),
            pl.BlockSpec((2, tr, 64), lambda i: (0, i, 0)),
            pl.BlockSpec((1, 64), lambda i: (0, 0)),
            pl.BlockSpec((1, 98), lambda i: (0, 0)),
            pl.BlockSpec((1, 98), lambda i: (0, 0)),
            pl.BlockSpec((128, 128), lambda i: (0, 0)),
            pl.BlockSpec((1, 128), lambda i: (0, 0)),
        ],
        out_specs=[
            pl.BlockSpec((tr, 64), lambda i: (i, 0)),
            pl.BlockSpec((tr, 34), lambda i: (i, 0)),
        ],
        out_shape=[
            jax.ShapeDtypeStruct((n, 64), jnp.float32),
            jax.ShapeDtypeStruct((n, 34), jnp.float32),
        ],
        compiler_params=pltpu.CompilerParams(
            dimension_semantics=("parallel",)),
    )(d1, p, bc11, bns, bnb, w2p, bvec2)


def _make_sc_agg(npad, steps, chunk):
    rows_per_tile = npad // _NS
    mesh = plsc.VectorSubcoreMesh(
        core_axis_name="c", subcore_axis_name="s",
        num_cores=_NC, num_subcores=_NS)

    @functools.partial(
        pl.kernel,
        out_type=jax.ShapeDtypeStruct((_NC, npad, 64), jnp.float32),
        mesh=mesh,
        scratch_types=[
            pltpu.VMEM((steps + _NBUF, chunk), jnp.int32),
            pltpu.VMEM((steps + _NBUF, chunk), jnp.int32),
            [pltpu.VMEM((chunk, 64), jnp.float32) for _ in range(_NBUF)],
            pltpu.VMEM_SHARED((npad, 64), jnp.float32),
            pltpu.VMEM_SHARED((npad, 64), jnp.float32),
            [pltpu.SemaphoreType.DMA for _ in range(_NBUF)],
        ],
        compiler_params=pltpu.CompilerParams(use_tc_tiling_on_sc=False),
    )
    def sc_agg(xw_hbm, src_hbm, dst_hbm, zeros_hbm, out_hbm,
               src_v, dst_v, rows, acc, tbl, gsem):
        c = lax.axis_index("c")
        s = lax.axis_index("s")
        wid = s * _NC + c
        r0 = s * rows_per_tile
        pltpu.sync_copy(zeros_hbm.at[pl.ds(r0, rows_per_tile)],
                        acc.at[pl.ds(r0, rows_per_tile)])
        pltpu.sync_copy(xw_hbm.at[pl.ds(r0, rows_per_tile)],
                        tbl.at[pl.ds(r0, rows_per_tile)])
        pltpu.sync_copy(src_hbm.at[wid], src_v)
        pltpu.sync_copy(dst_hbm.at[wid], dst_v)
        plsc.subcore_barrier()

        for b in range(_NBUF):
            pltpu.async_copy(tbl.at[src_v.at[b]], rows[b], gsem[b])

        def rnd(i, carry):
            j0 = i * _NBUF
            for b in range(_NBUF):
                pltpu.make_async_copy(
                    tbl.at[src_v.at[j0 + b]], rows[b], gsem[b]).wait()
                pltpu.sync_copy(rows[b], acc.at[dst_v.at[j0 + b]], add=True)
                pltpu.async_copy(tbl.at[src_v.at[j0 + _NBUF + b]],
                                 rows[b], gsem[b])
            return carry

        lax.fori_loop(0, steps // _NBUF, rnd, 0)
        for b in range(_NBUF):
            pltpu.make_async_copy(
                tbl.at[src_v.at[b]], rows[b], gsem[b]).wait()
        plsc.subcore_barrier()
        pltpu.sync_copy(acc.at[pl.ds(r0, rows_per_tile)],
                        out_hbm.at[c, pl.ds(r0, rows_per_tile)])

    return sc_agg


def _sc_agg_impl(xw, srcw, dstw, zeros, npad):
    steps = srcw.shape[1] - _NBUF
    return _make_sc_agg(npad, steps, srcw.shape[2])(xw, srcw, dstw, zeros)


def _pool_body(d_ref, q_ref, bc_ref, b_ref, w1_ref, b1_ref, w2_ref, b2_ref,
               o_ref, ps_ref, pm_ref):
    i = pl.program_id(0)

    @pl.when(i == 0)
    def _init():
        ps_ref[...] = jnp.zeros_like(ps_ref)
        pm_ref[...] = jnp.full_like(pm_ref, -jnp.inf)

    spect = jax.nn.relu(q_ref[0] + q_ref[1] + bc_ref[...])
    h2 = jnp.concatenate(
        [d_ref[:, :32], spect, d_ref[:, 32:34]], axis=1)
    b2 = b_ref[0]
    tr = h2.shape[0]
    onehot = (b2 == lax.broadcasted_iota(jnp.int32, (tr, _NG), 1)
              ).astype(jnp.float32)
    ps_ref[...] += lax.dot_general(
        onehot, h2, (((0,), (0,)), ((), ())),
        preferred_element_type=jnp.float32)
    m = h2
    dshift = 1
    while dshift < tr:
        mprev = jnp.concatenate(
            [jnp.full((dshift, 98), -jnp.inf, jnp.float32), m[:-dshift]],
            axis=0)
        bprev = jnp.concatenate(
            [jnp.full((dshift, 1), -1, jnp.int32), b2[:-dshift]], axis=0)
        m = jnp.where(bprev == b2, jnp.maximum(m, mprev), m)
        dshift *= 2
    bnext = jnp.concatenate(
        [b2[1:], jnp.full((1, 1), -1, jnp.int32)], axis=0)
    is_end = (b2 != bnext).astype(jnp.float32)
    sel = onehot * is_end
    contrib = lax.dot_general(
        sel, m, (((0,), (0,)), ((), ())),
        preferred_element_type=jnp.float32)
    present = jnp.sum(sel, axis=0)[:, None] > 0.0
    pm_ref[...] = jnp.maximum(
        pm_ref[...], jnp.where(present, contrib, -jnp.inf))

    @pl.when(i == pl.num_programs(0) - 1)
    def _head():
        pooled = jnp.concatenate([ps_ref[...], pm_ref[...]], axis=1)
        z1 = jax.nn.relu(
            jnp.dot(pooled, w1_ref[...], preferred_element_type=jnp.float32)
            + b1_ref[...])
        z = (jnp.dot(z1, w2_ref[...], preferred_element_type=jnp.float32)
             + b2_ref[...])
        m = jnp.max(z, axis=1, keepdims=True)
        lse = jnp.log(jnp.sum(jnp.exp(z - m), axis=1, keepdims=True)) + m
        o_ref[...] = z - lse


def _pool(d2, q, bc21, batch3, wfc1, bfc1, wfc2, bfc2, tr):
    n = d2.shape[0]
    grid = n // tr
    return pl.pallas_call(
        _pool_body,
        grid=(grid,),
        in_specs=[
            pl.BlockSpec((tr, 34), lambda i: (i, 0)),
            pl.BlockSpec((2, tr, 64), lambda i: (0, i, 0)),
            pl.BlockSpec((1, 64), lambda i: (0, 0)),
            pl.BlockSpec((1, tr, 1), lambda i: (i, 0, 0)),
            pl.BlockSpec((196, 100), lambda i: (0, 0)),
            pl.BlockSpec((1, 100), lambda i: (0, 0)),
            pl.BlockSpec((100, 2), lambda i: (0, 0)),
            pl.BlockSpec((1, 2), lambda i: (0, 0)),
        ],
        out_specs=pl.BlockSpec((_NG, 2), lambda i: (0, 0)),
        out_shape=jax.ShapeDtypeStruct((_NG, 2), jnp.float32),
        scratch_shapes=[
            pltpu.VMEM((_NG, 98), jnp.float32),
            pltpu.VMEM((_NG, 98), jnp.float32),
        ],
        compiler_params=pltpu.CompilerParams(
            dimension_semantics=("arbitrary",)),
    )(d2, q, bc21, batch3, wfc1, bfc1.reshape(1, -1), wfc2,
      bfc2.reshape(1, -1))


def kernel(x, edge_index, batch, Wc11, bc11, Wfc11, bfc11, Wfc12, bfc12,
           Wfc13, bfc13, bn1_g, bn1_b, Wc21, bc21, Wfc21, bfc21, Wfc22,
           bfc22, Wfc23, bfc23, Wfc1, bfc1, Wfc2, bfc2):
    n, f_in = x.shape
    e = edge_index.shape[1]
    tr = 2000
    z32 = jnp.zeros((32,), jnp.float32)

    w1p = jnp.concatenate([Wc11, Wfc11, Wfc12, Wfc13,
                           jnp.zeros((f_in, 28), jnp.float32)], axis=1)
    bvec1 = jnp.concatenate([jnp.zeros((64,), jnp.float32), bfc11, bfc12,
                             bfc13, jnp.zeros((28,), jnp.float32)]
                            ).reshape(1, 128)
    w2p = jnp.concatenate([Wc21, Wfc21, Wfc22, Wfc23,
                           jnp.zeros((98, 28), jnp.float32)], axis=1)
    w2p = jnp.concatenate([w2p, jnp.zeros((30, 128), jnp.float32)], axis=0)
    bvec2 = jnp.concatenate([jnp.zeros((64,), jnp.float32), bfc21, bfc22,
                             bfc23, jnp.zeros((28,), jnp.float32)]
                            ).reshape(1, 128)
    bns = (bn1_g / jnp.sqrt(1.0 + 1e-5)).reshape(1, 98)
    bnb = bn1_b.reshape(1, 98)

    per = _NW * _CHUNK * _NBUF
    e_pad = ((e + per - 1) // per) * per
    npad = ((n + 127) // 128) * 128
    if npad == n:
        npad += 128
    src = edge_index[0]
    dst = edge_index[1]
    if e_pad != e:
        fill = jnp.full((e_pad - e,), n, jnp.int32)
        src = jnp.concatenate([src, fill])
        dst = jnp.concatenate([dst, fill])
    steps = e_pad // (_NW * _CHUNK)
    dummy = jnp.full((_NW, _NBUF, _CHUNK), n, jnp.int32)
    srcw = jnp.concatenate([src.reshape(_NW, steps, _CHUNK), dummy], axis=1)
    dstw = jnp.concatenate([dst.reshape(_NW, steps, _CHUNK), dummy], axis=1)
    zeros = jnp.zeros((npad, 64), jnp.float32)

    def pad_rows(a):
        if npad == n:
            return a
        return jnp.concatenate(
            [a, jnp.zeros((npad - n, 64), jnp.float32)], axis=0)

    xw1, d1 = _dense1(x, w1p, bvec1, tr)
    p = _sc_agg_impl(pad_rows(xw1), srcw, dstw, zeros, npad)
    xw2, d2 = _dense2(d1, p[:, :n], bc11.reshape(1, 64), bns, bnb,
                      w2p, bvec2, tr)
    q = _sc_agg_impl(pad_rows(xw2), srcw, dstw, zeros, npad)
    batch3 = batch.reshape(n // tr, tr, 1)
    return _pool(d2, q[:, :n], bc21.reshape(1, 64), batch3,
                 Wfc1, bfc1, Wfc2, bfc2, tr)

# --- scband reference (transcript-rebuilt; emitter-appended) ---
"""Pipeline reference for scband-gnnml1-64991445123394 (READ-ONLY COPY).

The authoritative reference and input builder live on the scoring server;
editing this copy changes nothing except your own understanding.
"""

import jax, jax.numpy as jnp
import numpy as np

N = 10000
E = 320000
F_IN = 128
NIN = 98  # 32 + 64 + 2
NG = 64


def _lin(k, fan_in, fan_out):
    s = 1.0 / np.sqrt(fan_in)
    kw, kb = jax.random.split(k)
    W = jax.random.uniform(kw, (fan_in, fan_out), minval=-s, maxval=s, dtype=jnp.float32)
    b = jax.random.uniform(kb, (fan_out,), minval=-s, maxval=s, dtype=jnp.float32)
    return W, b


def setup_inputs(seed: int = 0):
    key = jax.random.key(seed)
    ks = jax.random.split(key, 16)
    x = jax.random.normal(ks[0], (N, F_IN), dtype=jnp.float32)
    edge_index = jax.random.randint(ks[1], (2, E), 0, N, dtype=jnp.int32)
    batch = jnp.sort(jax.random.randint(ks[2], (N,), 0, NG, dtype=jnp.int32))
    Wc11, bc11 = _lin(ks[3], F_IN, 64)
    Wfc11, bfc11 = _lin(ks[4], F_IN, 32)
    Wfc12, bfc12 = _lin(ks[5], F_IN, 2)
    Wfc13, bfc13 = _lin(ks[6], F_IN, 2)
    bn1_g = jnp.ones((NIN,), jnp.float32)
    bn1_b = jnp.zeros((NIN,), jnp.float32)
    Wc21, bc21 = _lin(ks[7], NIN, 64)
    Wfc21, bfc21 = _lin(ks[8], NIN, 32)
    Wfc22, bfc22 = _lin(ks[9], NIN, 2)
    Wfc23, bfc23 = _lin(ks[10], NIN, 2)
    Wfc1, bfc1 = _lin(ks[11], 2 * NIN, 100)
    Wfc2, bfc2 = _lin(ks[12], 100, 2)
    return {
        'x': x, 'edge_index': edge_index, 'batch': batch,
        'Wc11': Wc11, 'bc11': bc11, 'Wfc11': Wfc11, 'bfc11': bfc11,
        'Wfc12': Wfc12, 'bfc12': bfc12, 'Wfc13': Wfc13, 'bfc13': bfc13,
        'bn1_g': bn1_g, 'bn1_b': bn1_b,
        'Wc21': Wc21, 'bc21': bc21, 'Wfc21': Wfc21, 'bfc21': bfc21,
        'Wfc22': Wfc22, 'bfc22': bfc22, 'Wfc23': Wfc23, 'bfc23': bfc23,
        'Wfc1': Wfc1, 'bfc1': bfc1, 'Wfc2': Wfc2, 'bfc2': bfc2,
    }


def reference(x, edge_index, batch, Wc11, bc11, Wfc11, bfc11, Wfc12, bfc12,
              Wfc13, bfc13, bn1_g, bn1_b, Wc21, bc21, Wfc21, bfc21,
              Wfc22, bfc22, Wfc23, bfc23, Wfc1, bfc1, Wfc2, bfc2):
    src = edge_index[0]
    dst = edge_index[1]
    n = x.shape[0]

    def spect(h, W, b):
        # SpectConv with S=1, selfconn=False, edge_attr = ones:
        # message = edge_attr * h[src]; aggr='add' at dst; then linear
        agg = jax.ops.segment_sum(h[src], dst, num_segments=n)
        return agg @ W + b

    # eval mode: dropout is identity
    h1 = jnp.concatenate([
        jax.nn.relu(x @ Wfc11 + bfc11),
        jax.nn.relu(spect(x, Wc11, bc11)),
        jnp.tanh(x @ Wfc12 + bfc12) * jnp.tanh(x @ Wfc13 + bfc13),
    ], axis=1)
    # BatchNorm1d in eval mode with running_mean=0, running_var=1
    h1 = h1 / jnp.sqrt(1.0 + 1e-5) * bn1_g + bn1_b
    h2 = jnp.concatenate([
        jax.nn.relu(h1 @ Wfc21 + bfc21),
        jax.nn.relu(spect(h1, Wc21, bc21)),
        jnp.tanh(h1 @ Wfc22 + bfc22) * jnp.tanh(h1 @ Wfc23 + bfc23),
    ], axis=1)
    pooled = jnp.concatenate([
        jax.ops.segment_sum(h2, batch, num_segments=NG),
        jax.ops.segment_max(h2, batch, num_segments=NG),
    ], axis=1)
    z = jax.nn.relu(pooled @ Wfc1 + bfc1) @ Wfc2 + bfc2
    return jax.nn.log_softmax(z, axis=1)

if __name__ == "__main__":
    import jax
    _d = setup_inputs()
    print(jax.jit(kernel)(*tuple(_d.values())))

</pallas_src>

<mosaic_0001>
#map = affine_map<(d0, d1) -> (0, 0)>
#map1 = affine_map<(d0, d1) -> (0, 0, 0)>
module attributes {stable_mosaic.version = 14 : i64} {
  func.func @sc_agg(%arg0: i32, %arg1: i32, %arg2: memref<10112x64xf32, #tpu.memory_space<hbm>>, %arg3: memref<32x126x80xi32, #tpu.memory_space<hbm>>, %arg4: memref<32x126x80xi32, #tpu.memory_space<hbm>>, %arg5: memref<10112x64xf32, #tpu.memory_space<hbm>>, %arg6: memref<2x10112x64xf32, #tpu.memory_space<hbm>>, %arg7: memref<126x80xi32, #tpu.memory_space<vmem>>, %arg8: memref<126x80xi32, #tpu.memory_space<vmem>>, %arg9: memref<80x64xf32, #tpu.memory_space<vmem>>, %arg10: memref<10112x64xf32, #tpu.memory_space<vmem_shared>>, %arg11: memref<10112x64xf32, #tpu.memory_space<vmem_shared>>, %arg12: memref<!tpu.dma_semaphore, #tpu.memory_space<semaphore_mem>>) attributes {dimension_semantics = [#tpu.dimension_semantics<core_parallel>, #tpu.dimension_semantics<subcore_parallel>], iteration_bounds = array<i64: 2, 16>, scalar_prefetch = 0 : i64, scratch_operands = 6 : i64, tpu.core_type = #tpu.core_type<sc_vector_subcore>, window_params = [{transform_indices = #map}, {transform_indices = #map1}, {transform_indices = #map1}, {transform_indices = #map}, {transform_indices = #map1}]} {
    %mul3A = arith.constant 2 : i32
    %mul3A_0 = arith.muli %arg1, %mul3A : i32
    %add3A = arith.addi %mul3A_0, %arg0 : i32
    %mul3A_1 = arith.constant 632 : i32
    %mul3A_2 = arith.muli %arg1, %mul3A_1 : i32
    "tpu.region"() ({
      %run_scoped3A = tpu.sem_alloc : memref<!tpu.dma_semaphore, #tpu.memory_space<semaphore_mem>>
      %dma_start3A_21 = arith.constant 0 : i32
      %dma_start3A_22 = tpu.memref_slice %arg10[%mul3A_2, %dma_start3A_21] : memref<10112x64xf32, #tpu.memory_space<vmem_shared>> -> memref<632x64xf32, #tpu.memory_space<vmem_shared>>
      %dma_start3A_23 = arith.constant 0 : i32
      %dma_start3A_24 = tpu.memref_slice %arg5[%mul3A_2, %dma_start3A_23] : memref<10112x64xf32, #tpu.memory_space<hbm>> -> memref<632x64xf32, #tpu.memory_space<hbm>>
      tpu.enqueue_dma source(%dma_start3A_24 : memref<632x64xf32, #tpu.memory_space<hbm>>) target(%dma_start3A_22 : memref<632x64xf32, #tpu.memory_space<vmem_shared>>) target_semaphore(%run_scoped3A : memref<!tpu.dma_semaphore, #tpu.memory_space<semaphore_mem>>)
      %dma_wait3A_25 = arith.constant 0 : i32
      %dma_wait3A_26 = tpu.memref_slice %arg10[%mul3A_2, %dma_wait3A_25] : memref<10112x64xf32, #tpu.memory_space<vmem_shared>> -> memref<632x64xf32, #tpu.memory_space<vmem_shared>>
      %dma_wait3A_27 = arith.constant 0 : i32
      %dma_wait3A_28 = tpu.memref_slice %arg5[%mul3A_2, %dma_wait3A_27] : memref<10112x64xf32, #tpu.memory_space<hbm>> -> memref<632x64xf32, #tpu.memory_space<hbm>>
      tpu.wait_dma2 semaphore(%run_scoped3A : memref<!tpu.dma_semaphore, #tpu.memory_space<semaphore_mem>>) src(%dma_wait3A_28 : memref<632x64xf32, #tpu.memory_space<hbm>>) dst(%dma_wait3A_26 : memref<632x64xf32, #tpu.memory_space<vmem_shared>>)
      tpu.yield
    }) : () -> ()
    "tpu.region"() ({
      %run_scoped3A = tpu.sem_alloc : memref<!tpu.dma_semaphore, #tpu.memory_space<semaphore_mem>>
      %dma_start3A_21 = arith.constant 0 : i32
      %dma_start3A_22 = tpu.memref_slice %arg11[%mul3A_2, %dma_start3A_21] : memref<10112x64xf32, #tpu.memory_space<vmem_shared>> -> memref<632x64xf32, #tpu.memory_space<vmem_shared>>
      %dma_start3A_23 = arith.constant 0 : i32
      %dma_start3A_24 = tpu.memref_slice %arg2[%mul3A_2, %dma_start3A_23] : memref<10112x64xf32, #tpu.memory_space<hbm>> -> memref<632x64xf32, #tpu.memory_space<hbm>>
      tpu.enqueue_dma source(%dma_start3A_24 : memref<632x64xf32, #tpu.memory_space<hbm>>) target(%dma_start3A_22 : memref<632x64xf32, #tpu.memory_space<vmem_shared>>) target_semaphore(%run_scoped3A : memref<!tpu.dma_semaphore, #tpu.memory_space<semaphore_mem>>)
      %dma_wait3A_25 = arith.constant 0 : i32
      %dma_wait3A_26 = tpu.memref_slice %arg11[%mul3A_2, %dma_wait3A_25] : memref<10112x64xf32, #tpu.memory_space<vmem_shared>> -> memref<632x64xf32, #tpu.memory_space<vmem_shared>>
      %dma_wait3A_27 = arith.constant 0 : i32
      %dma_wait3A_28 = tpu.memref_slice %arg2[%mul3A_2, %dma_wait3A_27] : memref<10112x64xf32, #tpu.memory_space<hbm>> -> memref<632x64xf32, #tpu.memory_space<hbm>>
      tpu.wait_dma2 semaphore(%run_scoped3A : memref<!tpu.dma_semaphore, #tpu.memory_space<semaphore_mem>>) src(%dma_wait3A_28 : memref<632x64xf32, #tpu.memory_space<hbm>>) dst(%dma_wait3A_26 : memref<632x64xf32, #tpu.memory_space<vmem_shared>>)
      tpu.yield
    }) : () -> ()
    "tpu.region"() ({
      %run_scoped3A = tpu.sem_alloc : memref<!tpu.dma_semaphore, #tpu.memory_space<semaphore_mem>>
      %dma_start3A_21 = arith.constant 0 : i32
      %dma_start3A_22 = arith.constant 0 : i32
      %dma_start3A_23 = tpu.memref_slice %arg3[%add3A, %dma_start3A_21, %dma_start3A_22] : memref<32x126x80xi32, #tpu.memory_space<hbm>> -> memref<1x126x80xi32, #tpu.memory_space<hbm>>
      %dma_start3A_24 = tpu.memref_squeeze %dma_start3A_23 : memref<1x126x80xi32, #tpu.memory_space<hbm>> -> memref<126x80xi32, #tpu.memory_space<hbm>>
      %dma_start3A_25 = arith.constant 0 : i32
      %dma_start3A_26 = arith.constant 0 : i32
      %dma_start3A_27 = tpu.memref_slice %arg3[%add3A, %dma_start3A_25, %dma_start3A_26] : memref<32x126x80xi32, #tpu.memory_space<hbm>> -> memref<1x126x80xi32, #tpu.memory_space<hbm>>
      %dma_start3A_28 = tpu.memref_squeeze %dma_start3A_27 : memref<1x126x80xi32, #tpu.memory_space<hbm>> -> memref<126x80xi32, #tpu.memory_space<hbm>>
      tpu.enqueue_dma source(%dma_start3A_28 : memref<126x80xi32, #tpu.memory_space<hbm>>) target(%arg7 : memref<126x80xi32, #tpu.memory_space<vmem>>) target_semaphore(%run_scoped3A : memref<!tpu.dma_semaphore, #tpu.memory_space<semaphore_mem>>)
      %dma_wait3A_29 = arith.constant 0 : i32
      %dma_wait3A_30 = arith.constant 0 : i32
      %dma_wait3A_31 = tpu.memref_slice %arg3[%add3A, %dma_wait3A_29, %dma_wait3A_30] : memref<32x126x80xi32, #tpu.memory_space<hbm>> -> memref<1x126x80xi32, #tpu.memory_space<hbm>>
      %dma_wait3A_32 = tpu.memref_squeeze %dma_wait3A_31 : memref<1x126x80xi32, #tpu.memory_space<hbm>> -> memref<126x80xi32, #tpu.memory_space<hbm>>
      %dma_wait3A_33 = arith.constant 0 : i32
      %dma_wait3A_34 = arith.constant 0 : i32
      %dma_wait3A_35 = tpu.memref_slice %arg3[%add3A, %dma_wait3A_33, %dma_wait3A_34] : memref<32x126x80xi32, #tpu.memory_space<hbm>> -> memref<1x126x80xi32, #tpu.memory_space<hbm>>
      %dma_wait3A_36 = tpu.memref_squeeze %dma_wait3A_35 : memref<1x126x80xi32, #tpu.memory_space<hbm>> -> memref<126x80xi32, #tpu.memory_space<hbm>>
      tpu.wait_dma2 semaphore(%run_scoped3A : memref<!tpu.dma_semaphore, #tpu.memory_space<semaphore_mem>>) src(%dma_wait3A_36 : memref<126x80xi32, #tpu.memory_space<hbm>>) dst(%arg7 : memref<126x80xi32, #tpu.memory_space<vmem>>)
      tpu.yield
    }) : () -> ()
    "tpu.region"() ({
      %run_scoped3A = tpu.sem_alloc : memref<!tpu.dma_semaphore, #tpu.memory_space<semaphore_mem>>
      %dma_start3A_21 = arith.constant 0 : i32
      %dma_start3A_22 = arith.constant 0 : i32
      %dma_start3A_23 = tpu.memref_slice %arg4[%add3A, %dma_start3A_21, %dma_start3A_22] : memref<32x126x80xi32, #tpu.memory_space<hbm>> -> memref<1x126x80xi32, #tpu.memory_space<hbm>>
      %dma_start3A_24 = tpu.memref_squeeze %dma_start3A_23 : memref<1x126x80xi32, #tpu.memory_space<hbm>> -> memref<126x80xi32, #tpu.memory_space<hbm>>
      %dma_start3A_25 = arith.constant 0 : i32
      %dma_start3A_26 = arith.constant 0 : i32
      %dma_start3A_27 = tpu.memref_slice %arg4[%add3A, %dma_start3A_25, %dma_start3A_26] : memref<32x126x80xi32, #tpu.memory_space<hbm>> -> memref<1x126x80xi32, #tpu.memory_space<hbm>>
      %dma_start3A_28 = tpu.memref_squeeze %dma_start3A_27 : memref<1x126x80xi32, #tpu.memory_space<hbm>> -> memref<126x80xi32, #tpu.memory_space<hbm>>
      tpu.enqueue_dma source(%dma_start3A_28 : memref<126x80xi32, #tpu.memory_space<hbm>>) target(%arg8 : memref<126x80xi32, #tpu.memory_space<vmem>>) target_semaphore(%run_scoped3A : memref<!tpu.dma_semaphore, #tpu.memory_space<semaphore_mem>>)
      %dma_wait3A_29 = arith.constant 0 : i32
      %dma_wait3A_30 = arith.constant 0 : i32
      %dma_wait3A_31 = tpu.memref_slice %arg4[%add3A, %dma_wait3A_29, %dma_wait3A_30] : memref<32x126x80xi32, #tpu.memory_space<hbm>> -> memref<1x126x80xi32, #tpu.memory_space<hbm>>
      %dma_wait3A_32 = tpu.memref_squeeze %dma_wait3A_31 : memref<1x126x80xi32, #tpu.memory_space<hbm>> -> memref<126x80xi32, #tpu.memory_space<hbm>>
      %dma_wait3A_33 = arith.constant 0 : i32
      %dma_wait3A_34 = arith.constant 0 : i32
      %dma_wait3A_35 = tpu.memref_slice %arg4[%add3A, %dma_wait3A_33, %dma_wait3A_34] : memref<32x126x80xi32, #tpu.memory_space<hbm>> -> memref<1x126x80xi32, #tpu.memory_space<hbm>>
      %dma_wait3A_36 = tpu.memref_squeeze %dma_wait3A_35 : memref<1x126x80xi32, #tpu.memory_space<hbm>> -> memref<126x80xi32, #tpu.memory_space<hbm>>
      tpu.wait_dma2 semaphore(%run_scoped3A : memref<!tpu.dma_semaphore, #tpu.memory_space<semaphore_mem>>) src(%dma_wait3A_36 : memref<126x80xi32, #tpu.memory_space<hbm>>) dst(%arg8 : memref<126x80xi32, #tpu.memory_space<vmem>>)
      tpu.yield
    }) : () -> ()
    %barrier3A = arith.constant 0 : index
    tpu.barrier barrier_id(%barrier3A)
    %dma_start3A = arith.constant 0 : i32
    %dma_start3A_3 = arith.constant 0 : i32
    %dma_start3A_4 = tpu.memref_slice %arg7[%dma_start3A, %dma_start3A_3] : memref<126x80xi32, #tpu.memory_space<vmem>> -> memref<1x80xi32, #tpu.memory_space<vmem>>
    %dma_start3A_5 = tpu.memref_squeeze %dma_start3A_4 : memref<1x80xi32, #tpu.memory_space<vmem>> -> memref<80xi32, #tpu.memory_space<vmem>>
    %dma_start3A_6 = arith.constant 0 : i32
    %dma_start3A_7 = arith.constant 0 : i32
    %dma_start3A_8 = tpu.memref_slice %arg11[%dma_start3A_6, %dma_start3A_7] : memref<10112x64xf32, #tpu.memory_space<vmem_shared>> -> memref<10112x64xf32, #tpu.memory_space<vmem_shared>>
    tpu.enqueue_indirect_dma source(%dma_start3A_8 : memref<10112x64xf32, #tpu.memory_space<vmem_shared>>) target(%arg9 : memref<80x64xf32, #tpu.memory_space<vmem>>) offsets(%dma_start3A_5 : memref<80xi32, #tpu.memory_space<vmem>>) semaphore(%arg12 : memref<!tpu.dma_semaphore, #tpu.memory_space<semaphore_mem>>)
    %scan3A = arith.constant 0 : i32
    %scan3A_9 = arith.constant 0 : i32
    %scan3A_10 = arith.constant 125 : i32
    %scan3A_11 = arith.addi %scan3A_9, %scan3A_10 : i32
    %scan3A_12 = arith.constant 1 : i32
    scf.for %scan3A_21 = %scan3A_9 to %scan3A_11 step %scan3A_12  : i32 {
      %mul3A_22 = arith.constant 1 : i32
      %mul3A_23 = arith.muli %scan3A_21, %mul3A_22 : i32
      %add3A_24 = arith.constant 0 : i32
      %add3A_25 = arith.addi %mul3A_23, %add3A_24 : i32
      %dma_wait3A_26 = arith.constant 0 : i32
      %dma_wait3A_27 = tpu.memref_slice %arg7[%add3A_25, %dma_wait3A_26] : memref<126x80xi32, #tpu.memory_space<vmem>> -> memref<1x80xi32, #tpu.memory_space<vmem>>
      %dma_wait3A_28 = tpu.memref_squeeze %dma_wait3A_27 : memref<1x80xi32, #tpu.memory_space<vmem>> -> memref<80xi32, #tpu.memory_space<vmem>>
      %dma_wait3A_29 = arith.constant 0 : i32
      %dma_wait3A_30 = arith.constant 0 : i32
      %dma_wait3A_31 = tpu.memref_slice %arg11[%dma_wait3A_29, %dma_wait3A_30] : memref<10112x64xf32, #tpu.memory_space<vmem_shared>> -> memref<10112x64xf32, #tpu.memory_space<vmem_shared>>
      tpu.wait_indirect_dma semaphore(%arg12 : memref<!tpu.dma_semaphore, #tpu.memory_space<semaphore_mem>>) src(%dma_wait3A_31 : memref<10112x64xf32, #tpu.memory_space<vmem_shared>>) dst(%arg9 : memref<80x64xf32, #tpu.memory_space<vmem>>)
      %add3A_32 = arith.constant 0 : i32
      %add3A_33 = arith.addi %mul3A_23, %add3A_32 : i32
      "tpu.region"() ({
        %run_scoped3A = tpu.sem_alloc : memref<!tpu.dma_semaphore, #tpu.memory_space<semaphore_mem>>
        %dma_start3A_44 = arith.constant 0 : i32
        %dma_start3A_45 = tpu.memref_slice %arg8[%add3A_33, %dma_start3A_44] : memref<126x80xi32, #tpu.memory_space<vmem>> -> memref<1x80xi32, #tpu.memory_space<vmem>>
        %dma_start3A_46 = tpu.memref_squeeze %dma_start3A_45 : memref<1x80xi32, #tpu.memory_space<vmem>> -> memref<80xi32, #tpu.memory_space<vmem>>
        %dma_start3A_47 = arith.constant 0 : i32
        %dma_start3A_48 = arith.constant 0 : i32
        %dma_start3A_49 = tpu.memref_slice %arg10[%dma_start3A_47, %dma_start3A_48] : memref<10112x64xf32, #tpu.memory_space<vmem_shared>> -> memref<10112x64xf32, #tpu.memory_space<vmem_shared>>
        tpu.enqueue_indirect_dma source(%arg9 : memref<80x64xf32, #tpu.memory_space<vmem>>) target(%dma_start3A_49 : memref<10112x64xf32, #tpu.memory_space<vmem_shared>>) offsets(%dma_start3A_46 : memref<80xi32, #tpu.memory_space<vmem>>) semaphore(%run_scoped3A : memref<!tpu.dma_semaphore, #tpu.memory_space<semaphore_mem>>) {add = true}
        %dma_wait3A_50 = arith.constant 0 : i32
        %dma_wait3A_51 = tpu.memref_slice %arg8[%add3A_33, %dma_wait3A_50] : memref<126x80xi32, #tpu.memory_space<vmem>> -> memref<1x80xi32, #tpu.memory_space<vmem>>
        %dma_wait3A_52 = tpu.memref_squeeze %dma_wait3A_51 : memref<1x80xi32, #tpu.memory_space<vmem>> -> memref<80xi32, #tpu.memory_space<vmem>>
        %dma_wait3A_53 = arith.constant 0 : i32
        %dma_wait3A_54 = arith.constant 0 : i32
        %dma_wait3A_55 = tpu.memref_slice %arg10[%dma_wait3A_53, %dma_wait3A_54] : memref<10112x64xf32, #tpu.memory_space<vmem_shared>> -> memref<10112x64xf32, #tpu.memory_space<vmem_shared>>
        tpu.wait_indirect_dma semaphore(%run_scoped3A : memref<!tpu.dma_semaphore, #tpu.memory_space<semaphore_mem>>) src(%arg9 : memref<80x64xf32, #tpu.memory_space<vmem>>) dst(%dma_wait3A_55 : memref<10112x64xf32, #tpu.memory_space<vmem_shared>>)
        tpu.yield
      }) : () -> ()
      %add3A_34 = arith.constant 1 : i32
      %add3A_35 = arith.addi %mul3A_23, %add3A_34 : i32
      %add3A_36 = arith.constant 0 : i32
      %add3A_37 = arith.addi %add3A_35, %add3A_36 : i32
      %dma_start3A_38 = arith.constant 0 : i32
      %dma_start3A_39 = tpu.memref_slice %arg7[%add3A_37, %dma_start3A_38] : memref<126x80xi32, #tpu.memory_space<vmem>> -> memref<1x80xi32, #tpu.memory_space<vmem>>
      %dma_start3A_40 = tpu.memref_squeeze %dma_start3A_39 : memref<1x80xi32, #tpu.memory_space<vmem>> -> memref<80xi32, #tpu.memory_space<vmem>>
      %dma_start3A_41 = arith.constant 0 : i32
      %dma_start3A_42 = arith.constant 0 : i32
      %dma_start3A_43 = tpu.memref_slice %arg11[%dma_start3A_41, %dma_start3A_42] : memref<10112x64xf32, #tpu.memory_space<vmem_shared>> -> memref<10112x64xf32, #tpu.memory_space<vmem_shared>>
      tpu.enqueue_indirect_dma source(%dma_start3A_43 : memref<10112x64xf32, #tpu.memory_space<vmem_shared>>) target(%arg9 : memref<80x64xf32, #tpu.memory_space<vmem>>) offsets(%dma_start3A_40 : memref<80xi32, #tpu.memory_space<vmem>>) semaphore(%arg12 : memref<!tpu.dma_semaphore, #tpu.memory_space<semaphore_mem>>)
    }
    %scan3A_13 = arith.constant 125 : i32
    %dma_wait3A = arith.constant 0 : i32
    %dma_wait3A_14 = arith.constant 0 : i32
    %dma_wait3A_15 = tpu.memref_slice %arg7[%dma_wait3A, %dma_wait3A_14] : memref<126x80xi32, #tpu.memory_space<vmem>> -> memref<1x80xi32, #tpu.memory_space<vmem>>
    %dma_wait3A_16 = tpu.memref_squeeze %dma_wait3A_15 : memref<1x80xi32, #tpu.memory_space<vmem>> -> memref<80xi32, #tpu.memory_space<vmem>>
    %dma_wait3A_17 = arith.constant 0 : i32
    %dma_wait3A_18 = arith.constant 0 : i32
    %dma_wait3A_19 = tpu.memref_slice %arg11[%dma_wait3A_17, %dma_wait3A_18] : memref<10112x64xf32, #tpu.memory_space<vmem_shared>> -> memref<10112x64xf32, #tpu.memory_space<vmem_shared>>
    tpu.wait_indirect_dma semaphore(%arg12 : memref<!tpu.dma_semaphore, #tpu.memory_space<semaphore_mem>>) src(%dma_wait3A_19 : memref<10112x64xf32, #tpu.memory_space<vmem_shared>>) dst(%arg9 : memref<80x64xf32, #tpu.memory_space<vmem>>)
    %barrier3A_20 = arith.constant 0 : index
    tpu.barrier barrier_id(%barrier3A_20)
    "tpu.region"() ({
      %run_scoped3A = tpu.sem_alloc : memref<!tpu.dma_semaphore, #tpu.memory_space<semaphore_mem>>
      %dma_start3A_21 = arith.constant 0 : i32
      %dma_start3A_22 = tpu.memref_slice %arg6[%arg0, %mul3A_2, %dma_start3A_21] : memref<2x10112x64xf32, #tpu.memory_space<hbm>> -> memref<1x632x64xf32, #tpu.memory_space<hbm>>
      %dma_start3A_23 = tpu.memref_squeeze %dma_start3A_22 : memref<1x632x64xf32, #tpu.memory_space<hbm>> -> memref<632x64xf32, #tpu.memory_space<hbm>>
      %dma_start3A_24 = arith.constant 0 : i32
      %dma_start3A_25 = tpu.memref_slice %arg10[%mul3A_2, %dma_start3A_24] : memref<10112x64xf32, #tpu.memory_space<vmem_shared>> -> memref<632x64xf32, #tpu.memory_space<vmem_shared>>
      tpu.enqueue_dma source(%dma_start3A_25 : memref<632x64xf32, #tpu.memory_space<vmem_shared>>) target(%dma_start3A_23 : memref<632x64xf32, #tpu.memory_space<hbm>>) target_semaphore(%run_scoped3A : memref<!tpu.dma_semaphore, #tpu.memory_space<semaphore_mem>>)
      %dma_wait3A_26 = arith.constant 0 : i32
      %dma_wait3A_27 = tpu.memref_slice %arg6[%arg0, %mul3A_2, %dma_wait3A_26] : memref<2x10112x64xf32, #tpu.memory_space<hbm>> -> memref<1x632x64xf32, #tpu.memory_space<hbm>>
      %dma_wait3A_28 = tpu.memref_squeeze %dma_wait3A_27 : memref<1x632x64xf32, #tpu.memory_space<hbm>> -> memref<632x64xf32, #tpu.memory_space<hbm>>
      %dma_wait3A_29 = arith.constant 0 : i32
      %dma_wait3A_30 = tpu.memref_slice %arg10[%mul3A_2, %dma_wait3A_29] : memref<10112x64xf32, #tpu.memory_space<vmem_shared>> -> memref<632x64xf32, #tpu.memory_space<vmem_shared>>
      tpu.wait_dma2 semaphore(%run_scoped3A : memref<!tpu.dma_semaphore, #tpu.memory_space<semaphore_mem>>) src(%dma_wait3A_30 : memref<632x64xf32, #tpu.memory_space<vmem_shared>>) dst(%dma_wait3A_28 : memref<632x64xf32, #tpu.memory_space<hbm>>)
      tpu.yield
    }) : () -> ()
    return
  }
}

#map = affine_map<(d0, d1) -> (0, 0)>
#map1 = affine_map<(d0, d1) -> (0, 0, 0)>
module attributes {stable_mosaic.version = 14 : i64} {
  func.func @sc_agg(%arg0: i32, %arg1: i32, %arg2: memref<10112x64xf32, #tpu.memory_space<hbm>>, %arg3: memref<32x126x80xi32, #tpu.memory_space<hbm>>, %arg4: memref<32x126x80xi32, #tpu.memory_space<hbm>>, %arg5: memref<10112x64xf32, #tpu.memory_space<hbm>>, %arg6: memref<2x10112x64xf32, #tpu.memory_space<hbm>>, %arg7: memref<126x80xi32, #tpu.memory_space<vmem>>, %arg8: memref<126x80xi32, #tpu.memory_space<vmem>>, %arg9: memref<80x64xf32, #tpu.memory_space<vmem>>, %arg10: memref<10112x64xf32, #tpu.memory_space<vmem_shared>>, %arg11: memref<10112x64xf32, #tpu.memory_space<vmem_shared>>, %arg12: memref<!tpu.dma_semaphore, #tpu.memory_space<semaphore_mem>>) attributes {dimension_semantics = [#tpu.dimension_semantics<core_parallel>, #tpu.dimension_semantics<subcore_parallel>], iteration_bounds = array<i64: 2, 16>, scalar_prefetch = 0 : i64, scratch_operands = 6 : i64, tpu.core_type = #tpu.core_type<sc_vector_subcore>, window_params = [{transform_indices = #map}, {transform_indices = #map1}, {transform_indices = #map1}, {transform_indices = #map}, {transform_indices = #map1}]} {
    %mul3A = arith.constant 2 : i32
    %mul3A_0 = arith.muli %arg1, %mul3A : i32
    %add3A = arith.addi %mul3A_0, %arg0 : i32
    %mul3A_1 = arith.constant 632 : i32
    %mul3A_2 = arith.muli %arg1, %mul3A_1 : i32
    "tpu.region"() ({
      %run_scoped3A = tpu.sem_alloc : memref<!tpu.dma_semaphore, #tpu.memory_space<semaphore_mem>>
      %dma_start3A_21 = arith.constant 0 : i32
      %dma_start3A_22 = tpu.memref_slice %arg10[%mul3A_2, %dma_start3A_21] : memref<10112x64xf32, #tpu.memory_space<vmem_shared>> -> memref<632x64xf32, #tpu.memory_space<vmem_shared>>
      %dma_start3A_23 = arith.constant 0 : i32
      %dma_start3A_24 = tpu.memref_slice %arg5[%mul3A_2, %dma_start3A_23] : memref<10112x64xf32, #tpu.memory_space<hbm>> -> memref<632x64xf32, #tpu.memory_space<hbm>>
      tpu.enqueue_dma source(%dma_start3A_24 : memref<632x64xf32, #tpu.memory_space<hbm>>) target(%dma_start3A_22 : memref<632x64xf32, #tpu.memory_space<vmem_shared>>) target_semaphore(%run_scoped3A : memref<!tpu.dma_semaphore, #tpu.memory_space<semaphore_mem>>)
      %dma_wait3A_25 = arith.constant 0 : i32
      %dma_wait3A_26 = tpu.memref_slice %arg10[%mul3A_2, %dma_wait3A_25] : memref<10112x64xf32, #tpu.memory_space<vmem_shared>> -> memref<632x64xf32, #tpu.memory_space<vmem_shared>>
      %dma_wait3A_27 = arith.constant 0 : i32
      %dma_wait3A_28 = tpu.memref_slice %arg5[%mul3A_2, %dma_wait3A_27] : memref<10112x64xf32, #tpu.memory_space<hbm>> -> memref<632x64xf32, #tpu.memory_space<hbm>>
      tpu.wait_dma2 semaphore(%run_scoped3A : memref<!tpu.dma_semaphore, #tpu.memory_space<semaphore_mem>>) src(%dma_wait3A_28 : memref<632x64xf32, #tpu.memory_space<hbm>>) dst(%dma_wait3A_26 : memref<632x64xf32, #tpu.memory_space<vmem_shared>>)
      tpu.yield
    }) : () -> ()
    "tpu.region"() ({
      %run_scoped3A = tpu.sem_alloc : memref<!tpu.dma_semaphore, #tpu.memory_space<semaphore_mem>>
      %dma_start3A_21 = arith.constant 0 : i32
      %dma_start3A_22 = tpu.memref_slice %arg11[%mul3A_2, %dma_start3A_21] : memref<10112x64xf32, #tpu.memory_space<vmem_shared>> -> memref<632x64xf32, #tpu.memory_space<vmem_shared>>
      %dma_start3A_23 = arith.constant 0 : i32
      %dma_start3A_24 = tpu.memref_slice %arg2[%mul3A_2, %dma_start3A_23] : memref<10112x64xf32, #tpu.memory_space<hbm>> -> memref<632x64xf32, #tpu.memory_space<hbm>>
      tpu.enqueue_dma source(%dma_start3A_24 : memref<632x64xf32, #tpu.memory_space<hbm>>) target(%dma_start3A_22 : memref<632x64xf32, #tpu.memory_space<vmem_shared>>) target_semaphore(%run_scoped3A : memref<!tpu.dma_semaphore, #tpu.memory_space<semaphore_mem>>)
      %dma_wait3A_25 = arith.constant 0 : i32
      %dma_wait3A_26 = tpu.memref_slice %arg11[%mul3A_2, %dma_wait3A_25] : memref<10112x64xf32, #tpu.memory_space<vmem_shared>> -> memref<632x64xf32, #tpu.memory_space<vmem_shared>>
      %dma_wait3A_27 = arith.constant 0 : i32
      %dma_wait3A_28 = tpu.memref_slice %arg2[%mul3A_2, %dma_wait3A_27] : memref<10112x64xf32, #tpu.memory_space<hbm>> -> memref<632x64xf32, #tpu.memory_space<hbm>>
      tpu.wait_dma2 semaphore(%run_scoped3A : memref<!tpu.dma_semaphore, #tpu.memory_space<semaphore_mem>>) src(%dma_wait3A_28 : memref<632x64xf32, #tpu.memory_space<hbm>>) dst(%dma_wait3A_26 : memref<632x64xf32, #tpu.memory_space<vmem_shared>>)
      tpu.yield
    }) : () -> ()
    "tpu.region"() ({
      %run_scoped3A = tpu.sem_alloc : memref<!tpu.dma_semaphore, #tpu.memory_space<semaphore_mem>>
      %dma_start3A_21 = arith.constant 0 : i32
      %dma_start3A_22 = arith.constant 0 : i32
      %dma_start3A_23 = tpu.memref_slice %arg3[%add3A, %dma_start3A_21, %dma_start3A_22] : memref<32x126x80xi32, #tpu.memory_space<hbm>> -> memref<1x126x80xi32, #tpu.memory_space<hbm>>
      %dma_start3A_24 = tpu.memref_squeeze %dma_start3A_23 : memref<1x126x80xi32, #tpu.memory_space<hbm>> -> memref<126x80xi32, #tpu.memory_space<hbm>>
      %dma_start3A_25 = arith.constant 0 : i32
      %dma_start3A_26 = arith.constant 0 : i32
      %dma_start3A_27 = tpu.memref_slice %arg3[%add3A, %dma_start3A_25, %dma_start3A_26] : memref<32x126x80xi32, #tpu.memory_space<hbm>> -> memref<1x126x80xi32, #tpu.memory_space<hbm>>
      %dma_start3A_28 = tpu.memref_squeeze %dma_start3A_27 : memref<1x126x80xi32, #tpu.memory_space<hbm>> -> memref<126x80xi32, #tpu.memory_space<hbm>>
      tpu.enqueue_dma source(%dma_start3A_28 : memref<126x80xi32, #tpu.memory_space<hbm>>) target(%arg7 : memref<126x80xi32, #tpu.memory_space<vmem>>) target_semaphore(%run_scoped3A : memref<!tpu.dma_semaphore, #tpu.memory_space<semaphore_mem>>)
      %dma_wait3A_29 = arith.constant 0 : i32
      %dma_wait3A_30 = arith.constant 0 : i32
      %dma_wait3A_31 = tpu.memref_slice %arg3[%add3A, %dma_wait3A_29, %dma_wait3A_30] : memref<32x126x80xi32, #tpu.memory_space<hbm>> -> memref<1x126x80xi32, #tpu.memory_space<hbm>>
      %dma_wait3A_32 = tpu.memref_squeeze %dma_wait3A_31 : memref<1x126x80xi32, #tpu.memory_space<hbm>> -> memref<126x80xi32, #tpu.memory_space<hbm>>
      %dma_wait3A_33 = arith.constant 0 : i32
      %dma_wait3A_34 = arith.constant 0 : i32
      %dma_wait3A_35 = tpu.memref_slice %arg3[%add3A, %dma_wait3A_33, %dma_wait3A_34] : memref<32x126x80xi32, #tpu.memory_space<hbm>> -> memref<1x126x80xi32, #tpu.memory_space<hbm>>
      %dma_wait3A_36 = tpu.memref_squeeze %dma_wait3A_35 : memref<1x126x80xi32, #tpu.memory_space<hbm>> -> memref<126x80xi32, #tpu.memory_space<hbm>>
      tpu.wait_dma2 semaphore(%run_scoped3A : memref<!tpu.dma_semaphore, #tpu.memory_space<semaphore_mem>>) src(%dma_wait3A_36 : memref<126x80xi32, #tpu.memory_space<hbm>>) dst(%arg7 : memref<126x80xi32, #tpu.memory_space<vmem>>)
      tpu.yield
    }) : () -> ()
    "tpu.region"() ({
      %run_scoped3A = tpu.sem_alloc : memref<!tpu.dma_semaphore, #tpu.memory_space<semaphore_mem>>
      %dma_start3A_21 = arith.constant 0 : i32
      %dma_start3A_22 = arith.constant 0 : i32
      %dma_start3A_23 = tpu.memref_slice %arg4[%add3A, %dma_start3A_21, %dma_start3A_22] : memref<32x126x80xi32, #tpu.memory_space<hbm>> -> memref<1x126x80xi32, #tpu.memory_space<hbm>>
      %dma_start3A_24 = tpu.memref_squeeze %dma_start3A_23 : memref<1x126x80xi32, #tpu.memory_space<hbm>> -> memref<126x80xi32, #tpu.memory_space<hbm>>
      %dma_start3A_25 = arith.constant 0 : i32
      %dma_start3A_26 = arith.constant 0 : i32
      %dma_start3A_27 = tpu.memref_slice %arg4[%add3A, %dma_start3A_25, %dma_start3A_26] : memref<32x126x80xi32, #tpu.memory_space<hbm>> -> memref<1x126x80xi32, #tpu.memory_space<hbm>>
      %dma_start3A_28 = tpu.memref_squeeze %dma_start3A_27 : memref<1x126x80xi32, #tpu.memory_space<hbm>> -> memref<126x80xi32, #tpu.memory_space<hbm>>
      tpu.enqueue_dma source(%dma_start3A_28 : memref<126x80xi32, #tpu.memory_space<hbm>>) target(%arg8 : memref<126x80xi32, #tpu.memory_space<vmem>>) target_semaphore(%run_scoped3A : memref<!tpu.dma_semaphore, #tpu.memory_space<semaphore_mem>>)
      %dma_wait3A_29 = arith.constant 0 : i32
      %dma_wait3A_30 = arith.constant 0 : i32
      %dma_wait3A_31 = tpu.memref_slice %arg4[%add3A, %dma_wait3A_29, %dma_wait3A_30] : memref<32x126x80xi32, #tpu.memory_space<hbm>> -> memref<1x126x80xi32, #tpu.memory_space<hbm>>
      %dma_wait3A_32 = tpu.memref_squeeze %dma_wait3A_31 : memref<1x126x80xi32, #tpu.memory_space<hbm>> -> memref<126x80xi32, #tpu.memory_space<hbm>>
      %dma_wait3A_33 = arith.constant 0 : i32
      %dma_wait3A_34 = arith.constant 0 : i32
      %dma_wait3A_35 = tpu.memref_slice %arg4[%add3A, %dma_wait3A_33, %dma_wait3A_34] : memref<32x126x80xi32, #tpu.memory_space<hbm>> -> memref<1x126x80xi32, #tpu.memory_space<hbm>>
      %dma_wait3A_36 = tpu.memref_squeeze %dma_wait3A_35 : memref<1x126x80xi32, #tpu.memory_space<hbm>> -> memref<126x80xi32, #tpu.memory_space<hbm>>
      tpu.wait_dma2 semaphore(%run_scoped3A : memref<!tpu.dma_semaphore, #tpu.memory_space<semaphore_mem>>) src(%dma_wait3A_36 : memref<126x80xi32, #tpu.memory_space<hbm>>) dst(%arg8 : memref<126x80xi32, #tpu.memory_space<vmem>>)
      tpu.yield
    }) : () -> ()
    %barrier3A = arith.constant 0 : index
    tpu.barrier barrier_id(%barrier3A)
    %dma_start3A = arith.constant 0 : i32
    %dma_start3A_3 = arith.constant 0 : i32
    %dma_start3A_4 = tpu.memref_slice %arg7[%dma_start3A, %dma_start3A_3] : memref<126x80xi32, #tpu.memory_space<vmem>> -> memref<1x80xi32, #tpu.memory_space<vmem>>
    %dma_start3A_5 = tpu.memref_squeeze %dma_start3A_4 : memref<1x80xi32, #tpu.memory_space<vmem>> -> memref<80xi32, #tpu.memory_space<vmem>>
    %dma_start3A_6 = arith.constant 0 : i32
    %dma_start3A_7 = arith.constant 0 : i32
    %dma_start3A_8 = tpu.memref_slice %arg11[%dma_start3A_6, %dma_start3A_7] : memref<10112x64xf32, #tpu.memory_space<vmem_shared>> -> memref<10112x64xf32, #tpu.memory_space<vmem_shared>>
    tpu.enqueue_indirect_dma source(%dma_start3A_8 : memref<10112x64xf32, #tpu.memory_space<vmem_shared>>) target(%arg9 : memref<80x64xf32, #tpu.memory_space<vmem>>) offsets(%dma_start3A_5 : memref<80xi32, #tpu.memory_space<vmem>>) semaphore(%arg12 : memref<!tpu.dma_semaphore, #tpu.memory_space<semaphore_mem>>)
    %scan3A = arith.constant 0 : i32
    %scan3A_9 = arith.constant 0 : i32
    %scan3A_10 = arith.constant 125 : i32
    %scan3A_11 = arith.addi %scan3A_9, %scan3A_10 : i32
    %scan3A_12 = arith.constant 1 : i32
    scf.for %scan3A_21 = %scan3A_9 to %scan3A_11 step %scan3A_12  : i32 {
      %mul3A_22 = arith.constant 1 : i32
      %mul3A_23 = arith.muli %scan3A_21, %mul3A_22 : i32
      %add3A_24 = arith.constant 0 : i32
      %add3A_25 = arith.addi %mul3A_23, %add3A_24 : i32
      %dma_wait3A_26 = arith.constant 0 : i32
      %dma_wait3A_27 = tpu.memref_slice %arg7[%add3A_25, %dma_wait3A_26] : memref<126x80xi32, #tpu.memory_space<vmem>> -> memref<1x80xi32, #tpu.memory_space<vmem>>
      %dma_wait3A_28 = tpu.memref_squeeze %dma_wait3A_27 : memref<1x80xi32, #tpu.memory_space<vmem>> -> memref<80xi32, #tpu.memory_space<vmem>>
      %dma_wait3A_29 = arith.constant 0 : i32
      %dma_wait3A_30 = arith.constant 0 : i32
      %dma_wait3A_31 = tpu.memref_slice %arg11[%dma_wait3A_29, %dma_wait3A_30] : memref<10112x64xf32, #tpu.memory_space<vmem_shared>> -> memref<10112x64xf32, #tpu.memory_space<vmem_shared>>
      tpu.wait_indirect_dma semaphore(%arg12 : memref<!tpu.dma_semaphore, #tpu.memory_space<semaphore_mem>>) src(%dma_wait3A_31 : memref<10112x64xf32, #tpu.memory_space<vmem_shared>>) dst(%arg9 : memref<80x64xf32, #tpu.memory_space<vmem>>)
      %add3A_32 = arith.constant 0 : i32
      %add3A_33 = arith.addi %mul3A_23, %add3A_32 : i32
      "tpu.region"() ({
        %run_scoped3A = tpu.sem_alloc : memref<!tpu.dma_semaphore, #tpu.memory_space<semaphore_mem>>
        %dma_start3A_44 = arith.constant 0 : i32
        %dma_start3A_45 = tpu.memref_slice %arg8[%add3A_33, %dma_start3A_44] : memref<126x80xi32, #tpu.memory_space<vmem>> -> memref<1x80xi32, #tpu.memory_space<vmem>>
        %dma_start3A_46 = tpu.memref_squeeze %dma_start3A_45 : memref<1x80xi32, #tpu.memory_space<vmem>> -> memref<80xi32, #tpu.memory_space<vmem>>
        %dma_start3A_47 = arith.constant 0 : i32
        %dma_start3A_48 = arith.constant 0 : i32
        %dma_start3A_49 = tpu.memref_slice %arg10[%dma_start3A_47, %dma_start3A_48] : memref<10112x64xf32, #tpu.memory_space<vmem_shared>> -> memref<10112x64xf32, #tpu.memory_space<vmem_shared>>
        tpu.enqueue_indirect_dma source(%arg9 : memref<80x64xf32, #tpu.memory_space<vmem>>) target(%dma_start3A_49 : memref<10112x64xf32, #tpu.memory_space<vmem_shared>>) offsets(%dma_start3A_46 : memref<80xi32, #tpu.memory_space<vmem>>) semaphore(%run_scoped3A : memref<!tpu.dma_semaphore, #tpu.memory_space<semaphore_mem>>) {add = true}
        %dma_wait3A_50 = arith.constant 0 : i32
        %dma_wait3A_51 = tpu.memref_slice %arg8[%add3A_33, %dma_wait3A_50] : memref<126x80xi32, #tpu.memory_space<vmem>> -> memref<1x80xi32, #tpu.memory_space<vmem>>
        %dma_wait3A_52 = tpu.memref_squeeze %dma_wait3A_51 : memref<1x80xi32, #tpu.memory_space<vmem>> -> memref<80xi32, #tpu.memory_space<vmem>>
        %dma_wait3A_53 = arith.constant 0 : i32
        %dma_wait3A_54 = arith.constant 0 : i32
        %dma_wait3A_55 = tpu.memref_slice %arg10[%dma_wait3A_53, %dma_wait3A_54] : memref<10112x64xf32, #tpu.memory_space<vmem_shared>> -> memref<10112x64xf32, #tpu.memory_space<vmem_shared>>
        tpu.wait_indirect_dma semaphore(%run_scoped3A : memref<!tpu.dma_semaphore, #tpu.memory_space<semaphore_mem>>) src(%arg9 : memref<80x64xf32, #tpu.memory_space<vmem>>) dst(%dma_wait3A_55 : memref<10112x64xf32, #tpu.memory_space<vmem_shared>>)
        tpu.yield
      }) : () -> ()
      %add3A_34 = arith.constant 1 : i32
      %add3A_35 = arith.addi %mul3A_23, %add3A_34 : i32
      %add3A_36 = arith.constant 0 : i32
      %add3A_37 = arith.addi %add3A_35, %add3A_36 : i32
      %dma_start3A_38 = arith.constant 0 : i32
      %dma_start3A_39 = tpu.memref_slice %arg7[%add3A_37, %dma_start3A_38] : memref<126x80xi32, #tpu.memory_space<vmem>> -> memref<1x80xi32, #tpu.memory_space<vmem>>
      %dma_start3A_40 = tpu.memref_squeeze %dma_start3A_39 : memref<1x80xi32, #tpu.memory_space<vmem>> -> memref<80xi32, #tpu.memory_space<vmem>>
      %dma_start3A_41 = arith.constant 0 : i32
      %dma_start3A_42 = arith.constant 0 : i32
      %dma_start3A_43 = tpu.memref_slice %arg11[%dma_start3A_41, %dma_start3A_42] : memref<10112x64xf32, #tpu.memory_space<vmem_shared>> -> memref<10112x64xf32, #tpu.memory_space<vmem_shared>>
      tpu.enqueue_indirect_dma source(%dma_start3A_43 : memref<10112x64xf32, #tpu.memory_space<vmem_shared>>) target(%arg9 : memref<80x64xf32, #tpu.memory_space<vmem>>) offsets(%dma_start3A_40 : memref<80xi32, #tpu.memory_space<vmem>>) semaphore(%arg12 : memref<!tpu.dma_semaphore, #tpu.memory_space<semaphore_mem>>)
    }
    %scan3A_13 = arith.constant 125 : i32
    %dma_wait3A = arith.constant 0 : i32
    %dma_wait3A_14 = arith.constant 0 : i32
    %dma_wait3A_15 = tpu.memref_slice %arg7[%dma_wait3A, %dma_wait3A_14] : memref<126x80xi32, #tpu.memory_space<vmem>> -> memref<1x80xi32, #tpu.memory_space<vmem>>
    %dma_wait3A_16 = tpu.memref_squeeze %dma_wait3A_15 : memref<1x80xi32, #tpu.memory_space<vmem>> -> memref<80xi32, #tpu.memory_space<vmem>>
    %dma_wait3A_17 = arith.constant 0 : i32
    %dma_wait3A_18 = arith.constant 0 : i32
    %dma_wait3A_19 = tpu.memref_slice %arg11[%dma_wait3A_17, %dma_wait3A_18] : memref<10112x64xf32, #tpu.memory_space<vmem_shared>> -> memref<10112x64xf32, #tpu.memory_space<vmem_shared>>
    tpu.wait_indirect_dma semaphore(%arg12 : memref<!tpu.dma_semaphore, #tpu.memory_space<semaphore_mem>>) src(%dma_wait3A_19 : memref<10112x64xf32, #tpu.memory_space<vmem_shared>>) dst(%arg9 : memref<80x64xf32, #tpu.memory_space<vmem>>)
    %barrier3A_20 = arith.constant 0 : index
    tpu.barrier barrier_id(%barrier3A_20)
    "tpu.region"() ({
      %run_scoped3A = tpu.sem_alloc : memref<!tpu.dma_semaphore, #tpu.memory_space<semaphore_mem>>
      %dma_start3A_21 = arith.constant 0 : i32
      %dma_start3A_22 = tpu.memref_slice %arg6[%arg0, %mul3A_2, %dma_start3A_21] : memref<2x10112x64xf32, #tpu.memory_space<hbm>> -> memref<1x632x64xf32, #tpu.memory_space<hbm>>
      %dma_start3A_23 = tpu.memref_squeeze %dma_start3A_22 : memref<1x632x64xf32, #tpu.memory_space<hbm>> -> memref<632x64xf32, #tpu.memory_space<hbm>>
      %dma_start3A_24 = arith.constant 0 : i32
      %dma_start3A_25 = tpu.memref_slice %arg10[%mul3A_2, %dma_start3A_24] : memref<10112x64xf32, #tpu.memory_space<vmem_shared>> -> memref<632x64xf32, #tpu.memory_space<vmem_shared>>
      tpu.enqueue_dma source(%dma_start3A_25 : memref<632x64xf32, #tpu.memory_space<vmem_shared>>) target(%dma_start3A_23 : memref<632x64xf32, #tpu.memory_space<hbm>>) target_semaphore(%run_scoped3A : memref<!tpu.dma_semaphore, #tpu.memory_space<semaphore_mem>>)
      %dma_wait3A_26 = arith.constant 0 : i32
      %dma_wait3A_27 = tpu.memref_slice %arg6[%arg0, %mul3A_2, %dma_wait3A_26] : memref<2x10112x64xf32, #tpu.memory_space<hbm>> -> memref<1x632x64xf32, #tpu.memory_space<hbm>>
      %dma_wait3A_28 = tpu.memref_squeeze %dma_wait3A_27 : memref<1x632x64xf32, #tpu.memory_space<hbm>> -> memref<632x64xf32, #tpu.memory_space<hbm>>
      %dma_wait3A_29 = arith.constant 0 : i32
      %dma_wait3A_30 = tpu.memref_slice %arg10[%mul3A_2, %dma_wait3A_29] : memref<10112x64xf32, #tpu.memory_space<vmem_shared>> -> memref<632x64xf32, #tpu.memory_space<vmem_shared>>
      tpu.wait_dma2 semaphore(%run_scoped3A : memref<!tpu.dma_semaphore, #tpu.memory_space<semaphore_mem>>) src(%dma_wait3A_30 : memref<632x64xf32, #tpu.memory_space<vmem_shared>>) dst(%dma_wait3A_28 : memref<632x64xf32, #tpu.memory_space<hbm>>)
      tpu.yield
    }) : () -> ()
    return
  }
}

module attributes {stable_mosaic.version = 14 : i64} {
  func.func @_dense1_body(%arg0: i32, %arg1: memref<2000x128xf32, #tpu.memory_space<vmem>>, %arg2: memref<128x128xf32, #tpu.memory_space<vmem>>, %arg3: memref<1x128xf32, #tpu.memory_space<vmem>>, %arg4: memref<2000x64xf32, #tpu.memory_space<vmem>>, %arg5: memref<2000x34xf32, #tpu.memory_space<vmem>>) attributes {dimension_semantics = [#tpu.dimension_semantics<parallel>], iteration_bounds = array<i64: 5>, scalar_prefetch = 0 : i64, scratch_operands = 0 : i64, tpu.core_type = #tpu.core_type<tc>, window_params = [{transform_indices = @transform_0, window_bounds = array<i64: 2000, 128>}, {pipeline_mode = #tpu.pipeline_mode<synchronous>, transform_indices = @transform_1, window_bounds = array<i64: 128, 128>}, {pipeline_mode = #tpu.pipeline_mode<synchronous>, transform_indices = @transform_2, window_bounds = array<i64: 1, 128>}, {transform_indices = @transform_3, window_bounds = array<i64: 2000, 64>}, {transform_indices = @transform_4, window_bounds = array<i64: 2000, 34>}]} {
    %get3A = arith.constant 0 : index
    %get3A_0 = arith.constant 0 : index
    %get3A_1 = vector.load %arg1[%get3A, %get3A_0] : memref<2000x128xf32, #tpu.memory_space<vmem>>, vector<2000x128xf32>
    %get3A_2 = arith.constant 0 : index
    %get3A_3 = arith.constant 0 : index
    %get3A_4 = vector.load %arg2[%get3A_2, %get3A_3] : memref<128x128xf32, #tpu.memory_space<vmem>>, vector<128x128xf32>
    %dot_general3A = arith.constant dense<0.000000e+00> : vector<2000x128xf32>
    %dot_general3A_5 = tpu.matmul %get3A_1, %get3A_4, %dot_general3A {dimension_numbers = #tpu.dot_dimension_numbers<[1], [0], [0], [1], [0, 0, 1, 1], [], []>, transpose_lhs_hint = false} : vector<2000x128xf32>, vector<128x128xf32>, vector<2000x128xf32> -> vector<2000x128xf32>
    %get3A_6 = arith.constant 0 : index
    %get3A_7 = arith.constant 0 : index
    %get3A_8 = vector.load %arg3[%get3A_6, %get3A_7] : memref<1x128xf32, #tpu.memory_space<vmem>>, vector<1x128xf32>
    %add3A = vector.broadcast %get3A_8 : vector<1x128xf32> to vector<2000x128xf32>
    %add3A_9 = arith.addf %dot_general3A_5, %add3A : vector<2000x128xf32>
    %slice3A = vector.extract_strided_slice %dot_general3A_5 {offsets = [0, 0], sizes = [2000, 64], strides = [1, 1]} : vector<2000x128xf32> to vector<2000x64xf32>
    %swap3A = arith.constant 0 : index
    %swap3A_10 = arith.constant 0 : index
    %swap3A_11 = vector.load %arg4[%swap3A, %swap3A_10] : memref<2000x64xf32, #tpu.memory_space<vmem>>, vector<2000x64xf32>
    tpu.vector_store %arg4[%swap3A, %swap3A_10], %slice3A {strides = array<i32>} : memref<2000x64xf32, #tpu.memory_space<vmem>>, vector<2000x64xf32>,
    %slice3A_12 = vector.extract_strided_slice %add3A_9 {offsets = [0, 64], sizes = [2000, 32], strides = [1, 1]} : vector<2000x128xf32> to vector<2000x32xf32>
    %max3A = arith.constant 0.000000e+00 : f32
    %max3A_13 = vector.broadcast %max3A : f32 to vector<2000x32xf32>
    %max3A_14 = arith.maximumf %slice3A_12, %max3A_13 : vector<2000x32xf32>
    %slice3A_15 = vector.extract_strided_slice %add3A_9 {offsets = [0, 96], sizes = [2000, 2], strides = [1, 1]} : vector<2000x128xf32> to vector<2000x2xf32>
    %tanh3A = math.tanh %slice3A_15 : vector<2000x2xf32>
    %slice3A_16 = vector.extract_strided_slice %add3A_9 {offsets = [0, 98], sizes = [2000, 2], strides = [1, 1]} : vector<2000x128xf32> to vector<2000x2xf32>
    %tanh3A_17 = math.tanh %slice3A_16 : vector<2000x2xf32>
    %mul3A = arith.mulf %tanh3A, %tanh3A_17 : vector<2000x2xf32>
    %concatenate3A = tpu.concatenate %max3A_14, %mul3A in 1 : vector<2000x32xf32>, vector<2000x2xf32> -> vector<2000x34xf32>
    %swap3A_18 = arith.constant 0 : index
    %swap3A_19 = arith.constant 0 : index
    %swap3A_20 = vector.load %arg5[%swap3A_18, %swap3A_19] : memref<2000x34xf32, #tpu.memory_space<vmem>>, vector<2000x34xf32>
    tpu.vector_store %arg5[%swap3A_18, %swap3A_19], %concatenate3A {strides = array<i32>} : memref<2000x34xf32, #tpu.memory_space<vmem>>, vector<2000x34xf32>,
    return
  }
  func.func @transform_0(%arg0: i32) -> (i32, i32) {
    %c0_i32 = arith.constant 0 : i32
    %c0_i32_0 = arith.constant 0 : i32
    return %arg0, %c0_i32 : i32, i32
  }
  func.func @transform_1(%arg0: i32) -> (i32, i32) {
    %c0_i32 = arith.constant 0 : i32
    %c0_i32_0 = arith.constant 0 : i32
    %c0_i32_1 = arith.constant 0 : i32
    return %c0_i32, %c0_i32_0 : i32, i32
  }
  func.func @transform_2(%arg0: i32) -> (i32, i32) {
    %c0_i32 = arith.constant 0 : i32
    %c0_i32_0 = arith.constant 0 : i32
    %c0_i32_1 = arith.constant 0 : i32
    return %c0_i32, %c0_i32_0 : i32, i32
  }
  func.func @transform_3(%arg0: i32) -> (i32, i32) {
    %c0_i32 = arith.constant 0 : i32
    %c0_i32_0 = arith.constant 0 : i32
    return %arg0, %c0_i32 : i32, i32
  }
  func.func @transform_4(%arg0: i32) -> (i32, i32) {
    %c0_i32 = arith.constant 0 : i32
    %c0_i32_0 = arith.constant 0 : i32
    return %arg0, %c0_i32 : i32, i32
  }
}

module attributes {stable_mosaic.version = 14 : i64} {
  func.func @_dense2_body(%arg0: i32, %arg1: memref<2000x34xf32, #tpu.memory_space<vmem>>, %arg2: memref<2x2000x64xf32, #tpu.memory_space<vmem>>, %arg3: memref<1x64xf32, #tpu.memory_space<vmem>>, %arg4: memref<1x98xf32, #tpu.memory_space<vmem>>, %arg5: memref<1x98xf32, #tpu.memory_space<vmem>>, %arg6: memref<128x128xf32, #tpu.memory_space<vmem>>, %arg7: memref<1x128xf32, #tpu.memory_space<vmem>>, %arg8: memref<2000x64xf32, #tpu.memory_space<vmem>>, %arg9: memref<2000x34xf32, #tpu.memory_space<vmem>>) attributes {dimension_semantics = [#tpu.dimension_semantics<parallel>], iteration_bounds = array<i64: 5>, scalar_prefetch = 0 : i64, scratch_operands = 0 : i64, tpu.core_type = #tpu.core_type<tc>, window_params = [{transform_indices = @transform_0, window_bounds = array<i64: 2000, 34>}, {transform_indices = @transform_1, window_bounds = array<i64: 2, 2000, 64>}, {pipeline_mode = #tpu.pipeline_mode<synchronous>, transform_indices = @transform_2, window_bounds = array<i64: 1, 64>}, {pipeline_mode = #tpu.pipeline_mode<synchronous>, transform_indices = @transform_3, window_bounds = array<i64: 1, 98>}, {pipeline_mode = #tpu.pipeline_mode<synchronous>, transform_indices = @transform_4, window_bounds = array<i64: 1, 98>}, {pipeline_mode = #tpu.pipeline_mode<synchronous>, transform_indices = @transform_5, window_bounds = array<i64: 128, 128>}, {pipeline_mode = #tpu.pipeline_mode<synchronous>, transform_indices = @transform_6, window_bounds = array<i64: 1, 128>}, {transform_indices = @transform_7, window_bounds = array<i64: 2000, 64>}, {transform_indices = @transform_8, window_bounds = array<i64: 2000, 34>}]} {
    %get3A = arith.constant 0 : index
    %get3A_0 = arith.constant 0 : index
    %get3A_1 = arith.constant 0 : index
    %get3A_2 = vector.load %arg2[%get3A, %get3A_0, %get3A_1] : memref<2x2000x64xf32, #tpu.memory_space<vmem>>, vector<1x2000x64xf32>
    %get3A_3 = vector.shape_cast %get3A_2 : vector<1x2000x64xf32> to vector<2000x64xf32>
    %get3A_4 = arith.constant 1 : index
    %get3A_5 = arith.constant 0 : index
    %get3A_6 = arith.constant 0 : index
    %get3A_7 = vector.load %arg2[%get3A_4, %get3A_5, %get3A_6] : memref<2x2000x64xf32, #tpu.memory_space<vmem>>, vector<1x2000x64xf32>
    %get3A_8 = vector.shape_cast %get3A_7 : vector<1x2000x64xf32> to vector<2000x64xf32>
    %add3A = arith.addf %get3A_3, %get3A_8 : vector<2000x64xf32>
    %get3A_9 = arith.constant 0 : index
    %get3A_10 = arith.constant 0 : index
    %get3A_11 = vector.load %arg3[%get3A_9, %get3A_10] : memref<1x64xf32, #tpu.memory_space<vmem>>, vector<1x64xf32>
    %add3A_12 = vector.broadcast %get3A_11 : vector<1x64xf32> to vector<2000x64xf32>
    %add3A_13 = arith.addf %add3A, %add3A_12 : vector<2000x64xf32>
    %max3A = arith.constant 0.000000e+00 : f32
    %max3A_14 = vector.broadcast %max3A : f32 to vector<2000x64xf32>
    %max3A_15 = arith.maximumf %add3A_13, %max3A_14 : vector<2000x64xf32>
    %get3A_16 = arith.constant 0 : index
    %get3A_17 = arith.constant 0 : index
    %get3A_18 = vector.load %arg1[%get3A_16, %get3A_17] : memref<2000x34xf32, #tpu.memory_space<vmem>>, vector<2000x32xf32>
    %get3A_19 = arith.constant 0 : index
    %get3A_20 = arith.constant 32 : index
    %get3A_21 = vector.load %arg1[%get3A_19, %get3A_20] : memref<2000x34xf32, #tpu.memory_space<vmem>>, vector<2000x2xf32>
    %concatenate3A = tpu.concatenate %get3A_18, %max3A_15, %get3A_21 in 1 : vector<2000x32xf32>, vector<2000x64xf32>, vector<2000x2xf32> -> vector<2000x98xf32>
    %get3A_22 = arith.constant 0 : index
    %get3A_23 = arith.constant 0 : index
    %get3A_24 = vector.load %arg4[%get3A_22, %get3A_23] : memref<1x98xf32, #tpu.memory_space<vmem>>, vector<1x98xf32>
    %mul3A = vector.broadcast %get3A_24 : vector<1x98xf32> to vector<2000x98xf32>
    %mul3A_25 = arith.mulf %concatenate3A, %mul3A : vector<2000x98xf32>
    %get3A_26 = arith.constant 0 : index
    %get3A_27 = arith.constant 0 : index
    %get3A_28 = vector.load %arg5[%get3A_26, %get3A_27] : memref<1x98xf32, #tpu.memory_space<vmem>>, vector<1x98xf32>
    %add3A_29 = vector.broadcast %get3A_28 : vector<1x98xf32> to vector<2000x98xf32>
    %add3A_30 = arith.addf %mul3A_25, %add3A_29 : vector<2000x98xf32>
    %broadcast_in_dim3A = arith.constant 0.000000e+00 : f32
    %broadcast_in_dim3A_31 = vector.broadcast %broadcast_in_dim3A : f32 to vector<2000x30xf32>
    %concatenate3A_32 = tpu.concatenate %add3A_30, %broadcast_in_dim3A_31 in 1 : vector<2000x98xf32>, vector<2000x30xf32> -> vector<2000x128xf32>
    %get3A_33 = arith.constant 0 : index
    %get3A_34 = arith.constant 0 : index
    %get3A_35 = vector.load %arg6[%get3A_33, %get3A_34] : memref<128x128xf32, #tpu.memory_space<vmem>>, vector<128x128xf32>
    %dot_general3A = arith.constant dense<0.000000e+00> : vector<2000x128xf32>
    %dot_general3A_36 = tpu.matmul %concatenate3A_32, %get3A_35, %dot_general3A {dimension_numbers = #tpu.dot_dimension_numbers<[1], [0], [0], [1], [0, 0, 1, 1], [], []>, transpose_lhs_hint = false} : vector<2000x128xf32>, vector<128x128xf32>, vector<2000x128xf32> -> vector<2000x128xf32>
    %get3A_37 = arith.constant 0 : index
    %get3A_38 = arith.constant 0 : index
    %get3A_39 = vector.load %arg7[%get3A_37, %get3A_38] : memref<1x128xf32, #tpu.memory_space<vmem>>, vector<1x128xf32>
    %add3A_40 = vector.broadcast %get3A_39 : vector<1x128xf32> to vector<2000x128xf32>
    %add3A_41 = arith.addf %dot_general3A_36, %add3A_40 : vector<2000x128xf32>
    %slice3A = vector.extract_strided_slice %dot_general3A_36 {offsets = [0, 0], sizes = [2000, 64], strides = [1, 1]} : vector<2000x128xf32> to vector<2000x64xf32>
    %swap3A = arith.constant 0 : index
    %swap3A_42 = arith.constant 0 : index
    %swap3A_43 = vector.load %arg8[%swap3A, %swap3A_42] : memref<2000x64xf32, #tpu.memory_space<vmem>>, vector<2000x64xf32>
    tpu.vector_store %arg8[%swap3A, %swap3A_42], %slice3A {strides = array<i32>} : memref<2000x64xf32, #tpu.memory_space<vmem>>, vector<2000x64xf32>,
    %slice3A_44 = vector.extract_strided_slice %add3A_41 {offsets = [0, 64], sizes = [2000, 32], strides = [1, 1]} : vector<2000x128xf32> to vector<2000x32xf32>
    %max3A_45 = arith.constant 0.000000e+00 : f32
    %max3A_46 = vector.broadcast %max3A_45 : f32 to vector<2000x32xf32>
    %max3A_47 = arith.maximumf %slice3A_44, %max3A_46 : vector<2000x32xf32>
    %slice3A_48 = vector.extract_strided_slice %add3A_41 {offsets = [0, 96], sizes = [2000, 2], strides = [1, 1]} : vector<2000x128xf32> to vector<2000x2xf32>
    %tanh3A = math.tanh %slice3A_48 : vector<2000x2xf32>
    %slice3A_49 = vector.extract_strided_slice %add3A_41 {offsets = [0, 98], sizes = [2000, 2], strides = [1, 1]} : vector<2000x128xf32> to vector<2000x2xf32>
    %tanh3A_50 = math.tanh %slice3A_49 : vector<2000x2xf32>
    %mul3A_51 = arith.mulf %tanh3A, %tanh3A_50 : vector<2000x2xf32>
    %concatenate3A_52 = tpu.concatenate %max3A_47, %mul3A_51 in 1 : vector<2000x32xf32>, vector<2000x2xf32> -> vector<2000x34xf32>
    %swap3A_53 = arith.constant 0 : index
    %swap3A_54 = arith.constant 0 : index
    %swap3A_55 = vector.load %arg9[%swap3A_53, %swap3A_54] : memref<2000x34xf32, #tpu.memory_space<vmem>>, vector<2000x34xf32>
    tpu.vector_store %arg9[%swap3A_53, %swap3A_54], %concatenate3A_52 {strides = array<i32>} : memref<2000x34xf32, #tpu.memory_space<vmem>>, vector<2000x34xf32>,
    return
  }
  func.func @transform_0(%arg0: i32) -> (i32, i32) {
    %c0_i32 = arith.constant 0 : i32
    %c0_i32_0 = arith.constant 0 : i32
    return %arg0, %c0_i32 : i32, i32
  }
  func.func @transform_1(%arg0: i32) -> (i32, i32, i32) {
    %c0_i32 = arith.constant 0 : i32
    %c0_i32_0 = arith.constant 0 : i32
    %c0_i32_1 = arith.constant 0 : i32
    return %c0_i32, %arg0, %c0_i32_0 : i32, i32, i32
  }
  func.func @transform_2(%arg0: i32) -> (i32, i32) {
    %c0_i32 = arith.constant 0 : i32
    %c0_i32_0 = arith.constant 0 : i32
    %c0_i32_1 = arith.constant 0 : i32
    return %c0_i32, %c0_i32_0 : i32, i32
  }
  func.func @transform_3(%arg0: i32) -> (i32, i32) {
    %c0_i32 = arith.constant 0 : i32
    %c0_i32_0 = arith.constant 0 : i32
    %c0_i32_1 = arith.constant 0 : i32
    return %c0_i32, %c0_i32_0 : i32, i32
  }
  func.func @transform_4(%arg0: i32) -> (i32, i32) {
    %c0_i32 = arith.constant 0 : i32
    %c0_i32_0 = arith.constant 0 : i32
    %c0_i32_1 = arith.constant 0 : i32
    return %c0_i32, %c0_i32_0 : i32, i32
  }
  func.func @transform_5(%arg0: i32) -> (i32, i32) {
    %c0_i32 = arith.constant 0 : i32
    %c0_i32_0 = arith.constant 0 : i32
    %c0_i32_1 = arith.constant 0 : i32
    return %c0_i32, %c0_i32_0 : i32, i32
  }
  func.func @transform_6(%arg0: i32) -> (i32, i32) {
    %c0_i32 = arith.constant 0 : i32
    %c0_i32_0 = arith.constant 0 : i32
    %c0_i32_1 = arith.constant 0 : i32
    return %c0_i32, %c0_i32_0 : i32, i32
  }
  func.func @transform_7(%arg0: i32) -> (i32, i32) {
    %c0_i32 = arith.constant 0 : i32
    %c0_i32_0 = arith.constant 0 : i32
    return %arg0, %c0_i32 : i32, i32
  }
  func.func @transform_8(%arg0: i32) -> (i32, i32) {
    %c0_i32 = arith.constant 0 : i32
    %c0_i32_0 = arith.constant 0 : i32
    return %arg0, %c0_i32 : i32, i32
  }
}

module attributes {stable_mosaic.version = 14 : i64} {
  func.func @_pool_body(%arg0: i32, %arg1: memref<2000x34xf32, #tpu.memory_space<vmem>>, %arg2: memref<2x2000x64xf32, #tpu.memory_space<vmem>>, %arg3: memref<1x64xf32, #tpu.memory_space<vmem>>, %arg4: memref<1x2000x1xi32, #tpu.memory_space<vmem>>, %arg5: memref<196x100xf32, #tpu.memory_space<vmem>>, %arg6: memref<1x100xf32, #tpu.memory_space<vmem>>, %arg7: memref<100x2xf32, #tpu.memory_space<vmem>>, %arg8: memref<1x2xf32, #tpu.memory_space<vmem>>, %arg9: memref<64x2xf32, #tpu.memory_space<vmem>>, %arg10: memref<64x98xf32, #tpu.memory_space<vmem>>, %arg11: memref<64x98xf32, #tpu.memory_space<vmem>>) attributes {dimension_semantics = [#tpu.dimension_semantics<arbitrary>], iteration_bounds = array<i64: 5>, scalar_prefetch = 0 : i64, scratch_operands = 2 : i64, tpu.core_type = #tpu.core_type<tc>, window_params = [{transform_indices = @transform_0, window_bounds = array<i64: 2000, 34>}, {transform_indices = @transform_1, window_bounds = array<i64: 2, 2000, 64>}, {pipeline_mode = #tpu.pipeline_mode<synchronous>, transform_indices = @transform_2, window_bounds = array<i64: 1, 64>}, {transform_indices = @transform_3, window_bounds = array<i64: 1, 2000, 1>}, {pipeline_mode = #tpu.pipeline_mode<synchronous>, transform_indices = @transform_4, window_bounds = array<i64: 196, 100>}, {pipeline_mode = #tpu.pipeline_mode<synchronous>, transform_indices = @transform_5, window_bounds = array<i64: 1, 100>}, {pipeline_mode = #tpu.pipeline_mode<synchronous>, transform_indices = @transform_6, window_bounds = array<i64: 100, 2>}, {pipeline_mode = #tpu.pipeline_mode<synchronous>, transform_indices = @transform_7, window_bounds = array<i64: 1, 2>}, {pipeline_mode = #tpu.pipeline_mode<synchronous>, transform_indices = @transform_8, window_bounds = array<i64: 64, 2>}]} {
    %eq3A = arith.constant 0 : i32
    %eq3A_0 = arith.cmpi eq, %arg0, %eq3A : i32
    %convert_element_type3A = arith.extui %eq3A_0 : i1 to i32
    %cond3A = arith.constant 0 : i32
    %cond3A_1 = arith.cmpi ne, %convert_element_type3A, %cond3A : i32
    scf.if %cond3A_1 {
      %broadcast_in_dim3A_209 = arith.constant 0.000000e+00 : f32
      %broadcast_in_dim3A_210 = vector.broadcast %broadcast_in_dim3A_209 : f32 to vector<64x98xf32>
      %swap3A_211 = arith.constant 0 : index
      %swap3A_212 = arith.constant 0 : index
      %swap3A_213 = vector.load %arg10[%swap3A_211, %swap3A_212] : memref<64x98xf32, #tpu.memory_space<vmem>>, vector<64x98xf32>
      tpu.vector_store %arg10[%swap3A_211, %swap3A_212], %broadcast_in_dim3A_210 {strides = array<i32>} : memref<64x98xf32, #tpu.memory_space<vmem>>, vector<64x98xf32>,
      %broadcast_in_dim3A_214 = arith.constant 0xFF800000 : f32
      %broadcast_in_dim3A_215 = vector.broadcast %broadcast_in_dim3A_214 : f32 to vector<64x98xf32>
      %swap3A_216 = arith.constant 0 : index
      %swap3A_217 = arith.constant 0 : index
      %swap3A_218 = vector.load %arg11[%swap3A_216, %swap3A_217] : memref<64x98xf32, #tpu.memory_space<vmem>>, vector<64x98xf32>
      tpu.vector_store %arg11[%swap3A_216, %swap3A_217], %broadcast_in_dim3A_215 {strides = array<i32>} : memref<64x98xf32, #tpu.memory_space<vmem>>, vector<64x98xf32>,
    } else {
    }
    %get3A = arith.constant 0 : index
    %get3A_2 = arith.constant 0 : index
    %get3A_3 = arith.constant 0 : index
    %get3A_4 = vector.load %arg2[%get3A, %get3A_2, %get3A_3] : memref<2x2000x64xf32, #tpu.memory_space<vmem>>, vector<1x2000x64xf32>
    %get3A_5 = vector.shape_cast %get3A_4 : vector<1x2000x64xf32> to vector<2000x64xf32>
    %get3A_6 = arith.constant 1 : index
    %get3A_7 = arith.constant 0 : index
    %get3A_8 = arith.constant 0 : index
    %get3A_9 = vector.load %arg2[%get3A_6, %get3A_7, %get3A_8] : memref<2x2000x64xf32, #tpu.memory_space<vmem>>, vector<1x2000x64xf32>
    %get3A_10 = vector.shape_cast %get3A_9 : vector<1x2000x64xf32> to vector<2000x64xf32>
    %add3A = arith.addf %get3A_5, %get3A_10 : vector<2000x64xf32>
    %get3A_11 = arith.constant 0 : index
    %get3A_12 = arith.constant 0 : index
    %get3A_13 = vector.load %arg3[%get3A_11, %get3A_12] : memref<1x64xf32, #tpu.memory_space<vmem>>, vector<1x64xf32>
    %add3A_14 = vector.broadcast %get3A_13 : vector<1x64xf32> to vector<2000x64xf32>
    %add3A_15 = arith.addf %add3A, %add3A_14 : vector<2000x64xf32>
    %max3A = arith.constant 0.000000e+00 : f32
    %max3A_16 = vector.broadcast %max3A : f32 to vector<2000x64xf32>
    %max3A_17 = arith.maximumf %add3A_15, %max3A_16 : vector<2000x64xf32>
    %get3A_18 = arith.constant 0 : index
    %get3A_19 = arith.constant 0 : index
    %get3A_20 = vector.load %arg1[%get3A_18, %get3A_19] : memref<2000x34xf32, #tpu.memory_space<vmem>>, vector<2000x32xf32>
    %get3A_21 = arith.constant 0 : index
    %get3A_22 = arith.constant 32 : index
    %get3A_23 = vector.load %arg1[%get3A_21, %get3A_22] : memref<2000x34xf32, #tpu.memory_space<vmem>>, vector<2000x2xf32>
    %concatenate3A = tpu.concatenate %get3A_20, %max3A_17, %get3A_23 in 1 : vector<2000x32xf32>, vector<2000x64xf32>, vector<2000x2xf32> -> vector<2000x98xf32>
    %get3A_24 = arith.constant 0 : index
    %get3A_25 = arith.constant 0 : index
    %get3A_26 = arith.constant 0 : index
    %get3A_27 = vector.load %arg4[%get3A_24, %get3A_25, %get3A_26] : memref<1x2000x1xi32, #tpu.memory_space<vmem>>, vector<1x2000x1xi32>
    %get3A_28 = vector.shape_cast %get3A_27 : vector<1x2000x1xi32> to vector<2000x1xi32>
    %iota3A = tpu.iota {dimensions = array<i32: 1>} : vector<2000x64xi32>
    %eq3A_29 = vector.broadcast %get3A_28 : vector<2000x1xi32> to vector<2000x64xi32>
    %eq3A_30 = arith.cmpi eq, %eq3A_29, %iota3A : vector<2000x64xi32>
    %convert_element_type3A_31 = arith.extui %eq3A_30 : vector<2000x64xi1> to vector<2000x64xi32>
    %convert_element_type3A_32 = arith.sitofp %convert_element_type3A_31 : vector<2000x64xi32> to vector<2000x64xf32>
    %get3A_33 = arith.constant 0 : index
    %get3A_34 = arith.constant 0 : index
    %get3A_35 = vector.load %arg10[%get3A_33, %get3A_34] : memref<64x98xf32, #tpu.memory_space<vmem>>, vector<64x98xf32>
    %dot_general3A = arith.constant dense<0.000000e+00> : vector<64x98xf32>
    %dot_general3A_36 = tpu.matmul %convert_element_type3A_32, %concatenate3A, %dot_general3A {dimension_numbers = #tpu.dot_dimension_numbers<[0], [0], [1], [1], [0, 1, 1, 1], [], []>, transpose_lhs_hint = false} : vector<2000x64xf32>, vector<2000x98xf32>, vector<64x98xf32> -> vector<64x98xf32>
    %add3A_37 = arith.addf %get3A_35, %dot_general3A_36 : vector<64x98xf32>
    %swap3A = arith.constant 0 : index
    %swap3A_38 = arith.constant 0 : index
    %swap3A_39 = vector.load %arg10[%swap3A, %swap3A_38] : memref<64x98xf32, #tpu.memory_space<vmem>>, vector<64x98xf32>
    tpu.vector_store %arg10[%swap3A, %swap3A_38], %add3A_37 {strides = array<i32>} : memref<64x98xf32, #tpu.memory_space<vmem>>, vector<64x98xf32>,
    %broadcast_in_dim3A = arith.constant 0xFF800000 : f32
    %broadcast_in_dim3A_40 = vector.broadcast %broadcast_in_dim3A : f32 to vector<1x98xf32>
    %slice3A = vector.extract_strided_slice %concatenate3A {offsets = [0, 0], sizes = [1999, 98], strides = [1, 1]} : vector<2000x98xf32> to vector<1999x98xf32>
    %concatenate3A_41 = tpu.concatenate %broadcast_in_dim3A_40, %slice3A in 0 : vector<1x98xf32>, vector<1999x98xf32> -> vector<2000x98xf32>
    %broadcast_in_dim3A_42 = arith.constant -1 : i32
    %broadcast_in_dim3A_43 = vector.broadcast %broadcast_in_dim3A_42 : i32 to vector<1x1xi32>
    %slice3A_44 = vector.extract_strided_slice %get3A_28 {offsets = [0, 0], sizes = [1999, 1], strides = [1, 1]} : vector<2000x1xi32> to vector<1999x1xi32>
    %concatenate3A_45 = tpu.concatenate %broadcast_in_dim3A_43, %slice3A_44 in 0 : vector<1x1xi32>, vector<1999x1xi32> -> vector<2000x1xi32>
    %eq3A_46 = arith.cmpi eq, %concatenate3A_45, %get3A_28 : vector<2000x1xi32>
    %max3A_47 = arith.maximumf %concatenate3A, %concatenate3A_41 : vector<2000x98xf32>
    %broadcast_in_dim3A_48 = vector.shape_cast %eq3A_46 : vector<2000x1xi1> to vector<2000x1xi1>
    %broadcast_in_dim3A_49 = vector.broadcast %broadcast_in_dim3A_48 : vector<2000x1xi1> to vector<2000x98xi1>
    %select_n3A = arith.select %broadcast_in_dim3A_49, %max3A_47, %concatenate3A : vector<2000x98xi1>, vector<2000x98xf32>
    %broadcast_in_dim3A_50 = arith.constant 0xFF800000 : f32
    %broadcast_in_dim3A_51 = vector.broadcast %broadcast_in_dim3A_50 : f32 to vector<2x98xf32>
    %slice3A_52 = vector.extract_strided_slice %select_n3A {offsets = [0, 0], sizes = [1998, 98], strides = [1, 1]} : vector<2000x98xf32> to vector<1998x98xf32>
    %concatenate3A_53 = tpu.concatenate %broadcast_in_dim3A_51, %slice3A_52 in 0 : vector<2x98xf32>, vector<1998x98xf32> -> vector<2000x98xf32>
    %broadcast_in_dim3A_54 = arith.constant -1 : i32
    %broadcast_in_dim3A_55 = vector.broadcast %broadcast_in_dim3A_54 : i32 to vector<2x1xi32>
    %slice3A_56 = vector.extract_strided_slice %get3A_28 {offsets = [0, 0], sizes = [1998, 1], strides = [1, 1]} : vector<2000x1xi32> to vector<1998x1xi32>
    %concatenate3A_57 = tpu.concatenate %broadcast_in_dim3A_55, %slice3A_56 in 0 : vector<2x1xi32>, vector<1998x1xi32> -> vector<2000x1xi32>
    %eq3A_58 = arith.cmpi eq, %concatenate3A_57, %get3A_28 : vector<2000x1xi32>
    %max3A_59 = arith.maximumf %select_n3A, %concatenate3A_53 : vector<2000x98xf32>
    %broadcast_in_dim3A_60 = vector.shape_cast %eq3A_58 : vector<2000x1xi1> to vector<2000x1xi1>
    %broadcast_in_dim3A_61 = vector.broadcast %broadcast_in_dim3A_60 : vector<2000x1xi1> to vector<2000x98xi1>
    %select_n3A_62 = arith.select %broadcast_in_dim3A_61, %max3A_59, %select_n3A : vector<2000x98xi1>, vector<2000x98xf32>
    %broadcast_in_dim3A_63 = arith.constant 0xFF800000 : f32
    %broadcast_in_dim3A_64 = vector.broadcast %broadcast_in_dim3A_63 : f32 to vector<4x98xf32>
    %slice3A_65 = vector.extract_strided_slice %select_n3A_62 {offsets = [0, 0], sizes = [1996, 98], strides = [1, 1]} : vector<2000x98xf32> to vector<1996x98xf32>
    %concatenate3A_66 = tpu.concatenate %broadcast_in_dim3A_64, %slice3A_65 in 0 : vector<4x98xf32>, vector<1996x98xf32> -> vector<2000x98xf32>
    %broadcast_in_dim3A_67 = arith.constant -1 : i32
    %broadcast_in_dim3A_68 = vector.broadcast %broadcast_in_dim3A_67 : i32 to vector<4x1xi32>
    %slice3A_69 = vector.extract_strided_slice %get3A_28 {offsets = [0, 0], sizes = [1996, 1], strides = [1, 1]} : vector<2000x1xi32> to vector<1996x1xi32>
    %concatenate3A_70 = tpu.concatenate %broadcast_in_dim3A_68, %slice3A_69 in 0 : vector<4x1xi32>, vector<1996x1xi32> -> vector<2000x1xi32>
    %eq3A_71 = arith.cmpi eq, %concatenate3A_70, %get3A_28 : vector<2000x1xi32>
    %max3A_72 = arith.maximumf %select_n3A_62, %concatenate3A_66 : vector<2000x98xf32>
    %broadcast_in_dim3A_73 = vector.shape_cast %eq3A_71 : vector<2000x1xi1> to vector<2000x1xi1>
    %broadcast_in_dim3A_74 = vector.broadcast %broadcast_in_dim3A_73 : vector<2000x1xi1> to vector<2000x98xi1>
    %select_n3A_75 = arith.select %broadcast_in_dim3A_74, %max3A_72, %select_n3A_62 : vector<2000x98xi1>, vector<2000x98xf32>
    %broadcast_in_dim3A_76 = arith.constant 0xFF800000 : f32
    %broadcast_in_dim3A_77 = vector.broadcast %broadcast_in_dim3A_76 : f32 to vector<8x98xf32>
    %slice3A_78 = vector.extract_strided_slice %select_n3A_75 {offsets = [0, 0], sizes = [1992, 98], strides = [1, 1]} : vector<2000x98xf32> to vector<1992x98xf32>
    %concatenate3A_79 = tpu.concatenate %broadcast_in_dim3A_77, %slice3A_78 in 0 : vector<8x98xf32>, vector<1992x98xf32> -> vector<2000x98xf32>
    %broadcast_in_dim3A_80 = arith.constant -1 : i32
    %broadcast_in_dim3A_81 = vector.broadcast %broadcast_in_dim3A_80 : i32 to vector<8x1xi32>
    %slice3A_82 = vector.extract_strided_slice %get3A_28 {offsets = [0, 0], sizes = [1992, 1], strides = [1, 1]} : vector<2000x1xi32> to vector<1992x1xi32>
    %concatenate3A_83 = tpu.concatenate %broadcast_in_dim3A_81, %slice3A_82 in 0 : vector<8x1xi32>, vector<1992x1xi32> -> vector<2000x1xi32>
    %eq3A_84 = arith.cmpi eq, %concatenate3A_83, %get3A_28 : vector<2000x1xi32>
    %max3A_85 = arith.maximumf %select_n3A_75, %concatenate3A_79 : vector<2000x98xf32>
    %broadcast_in_dim3A_86 = vector.shape_cast %eq3A_84 : vector<2000x1xi1> to vector<2000x1xi1>
    %broadcast_in_dim3A_87 = vector.broadcast %broadcast_in_dim3A_86 : vector<2000x1xi1> to vector<2000x98xi1>
    %select_n3A_88 = arith.select %broadcast_in_dim3A_87, %max3A_85, %select_n3A_75 : vector<2000x98xi1>, vector<2000x98xf32>
    %broadcast_in_dim3A_89 = arith.constant 0xFF800000 : f32
    %broadcast_in_dim3A_90 = vector.broadcast %broadcast_in_dim3A_89 : f32 to vector<16x98xf32>
    %slice3A_91 = vector.extract_strided_slice %select_n3A_88 {offsets = [0, 0], sizes = [1984, 98], strides = [1, 1]} : vector<2000x98xf32> to vector<1984x98xf32>
    %concatenate3A_92 = tpu.concatenate %broadcast_in_dim3A_90, %slice3A_91 in 0 : vector<16x98xf32>, vector<1984x98xf32> -> vector<2000x98xf32>
    %broadcast_in_dim3A_93 = arith.constant -1 : i32
    %broadcast_in_dim3A_94 = vector.broadcast %broadcast_in_dim3A_93 : i32 to vector<16x1xi32>
    %slice3A_95 = vector.extract_strided_slice %get3A_28 {offsets = [0, 0], sizes = [1984, 1], strides = [1, 1]} : vector<2000x1xi32> to vector<1984x1xi32>
    %concatenate3A_96 = tpu.concatenate %broadcast_in_dim3A_94, %slice3A_95 in 0 : vector<16x1xi32>, vector<1984x1xi32> -> vector<2000x1xi32>
    %eq3A_97 = arith.cmpi eq, %concatenate3A_96, %get3A_28 : vector<2000x1xi32>
    %max3A_98 = arith.maximumf %select_n3A_88, %concatenate3A_92 : vector<2000x98xf32>
    %broadcast_in_dim3A_99 = vector.shape_cast %eq3A_97 : vector<2000x1xi1> to vector<2000x1xi1>
    %broadcast_in_dim3A_100 = vector.broadcast %broadcast_in_dim3A_99 : vector<2000x1xi1> to vector<2000x98xi1>
    %select_n3A_101 = arith.select %broadcast_in_dim3A_100, %max3A_98, %select_n3A_88 : vector<2000x98xi1>, vector<2000x98xf32>
    %broadcast_in_dim3A_102 = arith.constant 0xFF800000 : f32
    %broadcast_in_dim3A_103 = vector.broadcast %broadcast_in_dim3A_102 : f32 to vector<32x98xf32>
    %slice3A_104 = vector.extract_strided_slice %select_n3A_101 {offsets = [0, 0], sizes = [1968, 98], strides = [1, 1]} : vector<2000x98xf32> to vector<1968x98xf32>
    %concatenate3A_105 = tpu.concatenate %broadcast_in_dim3A_103, %slice3A_104 in 0 : vector<32x98xf32>, vector<1968x98xf32> -> vector<2000x98xf32>
    %broadcast_in_dim3A_106 = arith.constant -1 : i32
    %broadcast_in_dim3A_107 = vector.broadcast %broadcast_in_dim3A_106 : i32 to vector<32x1xi32>
    %slice3A_108 = vector.extract_strided_slice %get3A_28 {offsets = [0, 0], sizes = [1968, 1], strides = [1, 1]} : vector<2000x1xi32> to vector<1968x1xi32>
    %concatenate3A_109 = tpu.concatenate %broadcast_in_dim3A_107, %slice3A_108 in 0 : vector<32x1xi32>, vector<1968x1xi32> -> vector<2000x1xi32>
    %eq3A_110 = arith.cmpi eq, %concatenate3A_109, %get3A_28 : vector<2000x1xi32>
    %max3A_111 = arith.maximumf %select_n3A_101, %concatenate3A_105 : vector<2000x98xf32>
    %broadcast_in_dim3A_112 = vector.shape_cast %eq3A_110 : vector<2000x1xi1> to vector<2000x1xi1>
    %broadcast_in_dim3A_113 = vector.broadcast %broadcast_in_dim3A_112 : vector<2000x1xi1> to vector<2000x98xi1>
    %select_n3A_114 = arith.select %broadcast_in_dim3A_113, %max3A_111, %select_n3A_101 : vector<2000x98xi1>, vector<2000x98xf32>
    %broadcast_in_dim3A_115 = arith.constant 0xFF800000 : f32
    %broadcast_in_dim3A_116 = vector.broadcast %broadcast_in_dim3A_115 : f32 to vector<64x98xf32>
    %slice3A_117 = vector.extract_strided_slice %select_n3A_114 {offsets = [0, 0], sizes = [1936, 98], strides = [1, 1]} : vector<2000x98xf32> to vector<1936x98xf32>
    %concatenate3A_118 = tpu.concatenate %broadcast_in_dim3A_116, %slice3A_117 in 0 : vector<64x98xf32>, vector<1936x98xf32> -> vector<2000x98xf32>
    %broadcast_in_dim3A_119 = arith.constant -1 : i32
    %broadcast_in_dim3A_120 = vector.broadcast %broadcast_in_dim3A_119 : i32 to vector<64x1xi32>
    %slice3A_121 = vector.extract_strided_slice %get3A_28 {offsets = [0, 0], sizes = [1936, 1], strides = [1, 1]} : vector<2000x1xi32> to vector<1936x1xi32>
    %concatenate3A_122 = tpu.concatenate %broadcast_in_dim3A_120, %slice3A_121 in 0 : vector<64x1xi32>, vector<1936x1xi32> -> vector<2000x1xi32>
    %eq3A_123 = arith.cmpi eq, %concatenate3A_122, %get3A_28 : vector<2000x1xi32>
    %max3A_124 = arith.maximumf %select_n3A_114, %concatenate3A_118 : vector<2000x98xf32>
    %broadcast_in_dim3A_125 = vector.shape_cast %eq3A_123 : vector<2000x1xi1> to vector<2000x1xi1>
    %broadcast_in_dim3A_126 = vector.broadcast %broadcast_in_dim3A_125 : vector<2000x1xi1> to vector<2000x98xi1>
    %select_n3A_127 = arith.select %broadcast_in_dim3A_126, %max3A_124, %select_n3A_114 : vector<2000x98xi1>, vector<2000x98xf32>
    %broadcast_in_dim3A_128 = arith.constant 0xFF800000 : f32
    %broadcast_in_dim3A_129 = vector.broadcast %broadcast_in_dim3A_128 : f32 to vector<128x98xf32>
    %slice3A_130 = vector.extract_strided_slice %select_n3A_127 {offsets = [0, 0], sizes = [1872, 98], strides = [1, 1]} : vector<2000x98xf32> to vector<1872x98xf32>
    %concatenate3A_131 = tpu.concatenate %broadcast_in_dim3A_129, %slice3A_130 in 0 : vector<128x98xf32>, vector<1872x98xf32> -> vector<2000x98xf32>
    %broadcast_in_dim3A_132 = arith.constant -1 : i32
    %broadcast_in_dim3A_133 = vector.broadcast %broadcast_in_dim3A_132 : i32 to vector<128x1xi32>
    %slice3A_134 = vector.extract_strided_slice %get3A_28 {offsets = [0, 0], sizes = [1872, 1], strides = [1, 1]} : vector<2000x1xi32> to vector<1872x1xi32>
    %concatenate3A_135 = tpu.concatenate %broadcast_in_dim3A_133, %slice3A_134 in 0 : vector<128x1xi32>, vector<1872x1xi32> -> vector<2000x1xi32>
    %eq3A_136 = arith.cmpi eq, %concatenate3A_135, %get3A_28 : vector<2000x1xi32>
    %max3A_137 = arith.maximumf %select_n3A_127, %concatenate3A_131 : vector<2000x98xf32>
    %broadcast_in_dim3A_138 = vector.shape_cast %eq3A_136 : vector<2000x1xi1> to vector<2000x1xi1>
    %broadcast_in_dim3A_139 = vector.broadcast %broadcast_in_dim3A_138 : vector<2000x1xi1> to vector<2000x98xi1>
    %select_n3A_140 = arith.select %broadcast_in_dim3A_139, %max3A_137, %select_n3A_127 : vector<2000x98xi1>, vector<2000x98xf32>
    %broadcast_in_dim3A_141 = arith.constant 0xFF800000 : f32
    %broadcast_in_dim3A_142 = vector.broadcast %broadcast_in_dim3A_141 : f32 to vector<256x98xf32>
    %slice3A_143 = vector.extract_strided_slice %select_n3A_140 {offsets = [0, 0], sizes = [1744, 98], strides = [1, 1]} : vector<2000x98xf32> to vector<1744x98xf32>
    %concatenate3A_144 = tpu.concatenate %broadcast_in_dim3A_142, %slice3A_143 in 0 : vector<256x98xf32>, vector<1744x98xf32> -> vector<2000x98xf32>
    %broadcast_in_dim3A_145 = arith.constant -1 : i32
    %broadcast_in_dim3A_146 = vector.broadcast %broadcast_in_dim3A_145 : i32 to vector<256x1xi32>
    %slice3A_147 = vector.extract_strided_slice %get3A_28 {offsets = [0, 0], sizes = [1744, 1], strides = [1, 1]} : vector<2000x1xi32> to vector<1744x1xi32>
    %concatenate3A_148 = tpu.concatenate %broadcast_in_dim3A_146, %slice3A_147 in 0 : vector<256x1xi32>, vector<1744x1xi32> -> vector<2000x1xi32>
    %eq3A_149 = arith.cmpi eq, %concatenate3A_148, %get3A_28 : vector<2000x1xi32>
    %max3A_150 = arith.maximumf %select_n3A_140, %concatenate3A_144 : vector<2000x98xf32>
    %broadcast_in_dim3A_151 = vector.shape_cast %eq3A_149 : vector<2000x1xi1> to vector<2000x1xi1>
    %broadcast_in_dim3A_152 = vector.broadcast %broadcast_in_dim3A_151 : vector<2000x1xi1> to vector<2000x98xi1>
    %select_n3A_153 = arith.select %broadcast_in_dim3A_152, %max3A_150, %select_n3A_140 : vector<2000x98xi1>, vector<2000x98xf32>
    %broadcast_in_dim3A_154 = arith.constant 0xFF800000 : f32
    %broadcast_in_dim3A_155 = vector.broadcast %broadcast_in_dim3A_154 : f32 to vector<512x98xf32>
    %slice3A_156 = vector.extract_strided_slice %select_n3A_153 {offsets = [0, 0], sizes = [1488, 98], strides = [1, 1]} : vector<2000x98xf32> to vector<1488x98xf32>
    %concatenate3A_157 = tpu.concatenate %broadcast_in_dim3A_155, %slice3A_156 in 0 : vector<512x98xf32>, vector<1488x98xf32> -> vector<2000x98xf32>
    %broadcast_in_dim3A_158 = arith.constant -1 : i32
    %broadcast_in_dim3A_159 = vector.broadcast %broadcast_in_dim3A_158 : i32 to vector<512x1xi32>
    %slice3A_160 = vector.extract_strided_slice %get3A_28 {offsets = [0, 0], sizes = [1488, 1], strides = [1, 1]} : vector<2000x1xi32> to vector<1488x1xi32>
    %concatenate3A_161 = tpu.concatenate %broadcast_in_dim3A_159, %slice3A_160 in 0 : vector<512x1xi32>, vector<1488x1xi32> -> vector<2000x1xi32>
    %eq3A_162 = arith.cmpi eq, %concatenate3A_161, %get3A_28 : vector<2000x1xi32>
    %max3A_163 = arith.maximumf %select_n3A_153, %concatenate3A_157 : vector<2000x98xf32>
    %broadcast_in_dim3A_164 = vector.shape_cast %eq3A_162 : vector<2000x1xi1> to vector<2000x1xi1>
    %broadcast_in_dim3A_165 = vector.broadcast %broadcast_in_dim3A_164 : vector<2000x1xi1> to vector<2000x98xi1>
    %select_n3A_166 = arith.select %broadcast_in_dim3A_165, %max3A_163, %select_n3A_153 : vector<2000x98xi1>, vector<2000x98xf32>
    %broadcast_in_dim3A_167 = arith.constant 0xFF800000 : f32
    %broadcast_in_dim3A_168 = vector.broadcast %broadcast_in_dim3A_167 : f32 to vector<1024x98xf32>
    %slice3A_169 = vector.extract_strided_slice %select_n3A_166 {offsets = [0, 0], sizes = [976, 98], strides = [1, 1]} : vector<2000x98xf32> to vector<976x98xf32>
    %concatenate3A_170 = tpu.concatenate %broadcast_in_dim3A_168, %slice3A_169 in 0 : vector<1024x98xf32>, vector<976x98xf32> -> vector<2000x98xf32>
    %broadcast_in_dim3A_171 = arith.constant -1 : i32
    %broadcast_in_dim3A_172 = vector.broadcast %broadcast_in_dim3A_171 : i32 to vector<1024x1xi32>
    %slice3A_173 = vector.extract_strided_slice %get3A_28 {offsets = [0, 0], sizes = [976, 1], strides = [1, 1]} : vector<2000x1xi32> to vector<976x1xi32>
    %concatenate3A_174 = tpu.concatenate %broadcast_in_dim3A_172, %slice3A_173 in 0 : vector<1024x1xi32>, vector<976x1xi32> -> vector<2000x1xi32>
    %eq3A_175 = arith.cmpi eq, %concatenate3A_174, %get3A_28 : vector<2000x1xi32>
    %max3A_176 = arith.maximumf %select_n3A_166, %concatenate3A_170 : vector<2000x98xf32>
    %broadcast_in_dim3A_177 = vector.shape_cast %eq3A_175 : vector<2000x1xi1> to vector<2000x1xi1>
    %broadcast_in_dim3A_178 = vector.broadcast %broadcast_in_dim3A_177 : vector<2000x1xi1> to vector<2000x98xi1>
    %select_n3A_179 = arith.select %broadcast_in_dim3A_178, %max3A_176, %select_n3A_166 : vector<2000x98xi1>, vector<2000x98xf32>
    %slice3A_180 = vector.extract_strided_slice %get3A_28 {offsets = [1, 0], sizes = [1999, 1], strides = [1, 1]} : vector<2000x1xi32> to vector<1999x1xi32>
    %broadcast_in_dim3A_181 = arith.constant -1 : i32
    %broadcast_in_dim3A_182 = vector.broadcast %broadcast_in_dim3A_181 : i32 to vector<1x1xi32>
    %concatenate3A_183 = tpu.concatenate %slice3A_180, %broadcast_in_dim3A_182 in 0 : vector<1999x1xi32>, vector<1x1xi32> -> vector<2000x1xi32>
    %ne3A = arith.cmpi ne, %get3A_28, %concatenate3A_183 : vector<2000x1xi32>
    %convert_element_type3A_184 = arith.extui %ne3A : vector<2000x1xi1> to vector<2000x1xi32>
    %convert_element_type3A_185 = arith.sitofp %convert_element_type3A_184 : vector<2000x1xi32> to vector<2000x1xf32>
    %mul3A = vector.broadcast %convert_element_type3A_185 : vector<2000x1xf32> to vector<2000x64xf32>
    %mul3A_186 = arith.mulf %convert_element_type3A_32, %mul3A : vector<2000x64xf32>
    %dot_general3A_187 = arith.constant dense<0.000000e+00> : vector<64x98xf32>
    %dot_general3A_188 = tpu.matmul %mul3A_186, %select_n3A_179, %dot_general3A_187 {dimension_numbers = #tpu.dot_dimension_numbers<[0], [0], [1], [1], [0, 1, 1, 1], [], []>, transpose_lhs_hint = false} : vector<2000x64xf32>, vector<2000x98xf32>, vector<64x98xf32> -> vector<64x98xf32>
    %reduce_sum3A = arith.constant dense<0.000000e+00> : vector<64xf32>
    %reduce_sum3A_189 = vector.multi_reduction <add>, %mul3A_186, %reduce_sum3A [0] : vector<2000x64xf32> to vector<64xf32>
    %broadcast_in_dim3A_190 = vector.shape_cast %reduce_sum3A_189 : vector<64xf32> to vector<64x1xf32>
    %gt3A = arith.constant 0.000000e+00 : f32
    %gt3A_191 = vector.broadcast %gt3A : f32 to vector<64x1xf32>
    %gt3A_192 = arith.cmpf ogt, %broadcast_in_dim3A_190, %gt3A_191 : vector<64x1xf32>
    %get3A_193 = arith.constant 0 : index
    %get3A_194 = arith.constant 0 : index
    %get3A_195 = vector.load %arg11[%get3A_193, %get3A_194] : memref<64x98xf32, #tpu.memory_space<vmem>>, vector<64x98xf32>
    %jit3A = arith.constant 0xFF800000 : f32
    %broadcast_in_dim3A_196 = vector.shape_cast %gt3A_192 : vector<64x1xi1> to vector<64x1xi1>
    %broadcast_in_dim3A_197 = vector.broadcast %broadcast_in_dim3A_196 : vector<64x1xi1> to vector<64x98xi1>
    %broadcast_in_dim3A_198 = vector.broadcast %jit3A : f32 to vector<64x98xf32>
    %select_n3A_199 = arith.select %broadcast_in_dim3A_197, %dot_general3A_188, %broadcast_in_dim3A_198 : vector<64x98xi1>, vector<64x98xf32>
    %max3A_200 = arith.maximumf %get3A_195, %select_n3A_199 : vector<64x98xf32>
    %swap3A_201 = arith.constant 0 : index
    %swap3A_202 = arith.constant 0 : index
    %swap3A_203 = vector.load %arg11[%swap3A_201, %swap3A_202] : memref<64x98xf32, #tpu.memory_space<vmem>>, vector<64x98xf32>
    tpu.vector_store %arg11[%swap3A_201, %swap3A_202], %max3A_200 {strides = array<i32>} : memref<64x98xf32, #tpu.memory_space<vmem>>, vector<64x98xf32>,
    %eq3A_204 = arith.constant 4 : i32
    %eq3A_205 = arith.cmpi eq, %arg0, %eq3A_204 : i32
    %convert_element_type3A_206 = arith.extui %eq3A_205 : i1 to i32
    %cond3A_207 = arith.constant 0 : i32
    %cond3A_208 = arith.cmpi ne, %convert_element_type3A_206, %cond3A_207 : i32
    scf.if %cond3A_208 {
      %get3A_209 = arith.constant 0 : index
      %get3A_210 = arith.constant 0 : index
      %get3A_211 = vector.load %arg10[%get3A_209, %get3A_210] : memref<64x98xf32, #tpu.memory_space<vmem>>, vector<64x98xf32>
      %get3A_212 = arith.constant 0 : index
      %get3A_213 = arith.constant 0 : index
      %get3A_214 = vector.load %arg11[%get3A_212, %get3A_213] : memref<64x98xf32, #tpu.memory_space<vmem>>, vector<64x98xf32>
      %concatenate3A_215 = tpu.concatenate %get3A_211, %get3A_214 in 1 : vector<64x98xf32>, vector<64x98xf32> -> vector<64x196xf32>
      %get3A_216 = arith.constant 0 : index
      %get3A_217 = arith.constant 0 : index
      %get3A_218 = vector.load %arg5[%get3A_216, %get3A_217] : memref<196x100xf32, #tpu.memory_space<vmem>>, vector<196x100xf32>
      %dot_general3A_219 = arith.constant dense<0.000000e+00> : vector<64x100xf32>
      %dot_general3A_220 = tpu.matmul %concatenate3A_215, %get3A_218, %dot_general3A_219 {dimension_numbers = #tpu.dot_dimension_numbers<[1], [0], [0], [1], [0, 0, 1, 1], [], []>, transpose_lhs_hint = false} : vector<64x196xf32>, vector<196x100xf32>, vector<64x100xf32> -> vector<64x100xf32>
      %get3A_221 = arith.constant 0 : index
      %get3A_222 = arith.constant 0 : index
      %get3A_223 = vector.load %arg6[%get3A_221, %get3A_222] : memref<1x100xf32, #tpu.memory_space<vmem>>, vector<1x100xf32>
      %add3A_224 = vector.broadcast %get3A_223 : vector<1x100xf32> to vector<64x100xf32>
      %add3A_225 = arith.addf %dot_general3A_220, %add3A_224 : vector<64x100xf32>
      %max3A_226 = arith.constant 0.000000e+00 : f32
      %max3A_227 = vector.broadcast %max3A_226 : f32 to vector<64x100xf32>
      %max3A_228 = arith.maximumf %add3A_225, %max3A_227 : vector<64x100xf32>
      %get3A_229 = arith.constant 0 : index
      %get3A_230 = arith.constant 0 : index
      %get3A_231 = vector.load %arg7[%get3A_229, %get3A_230] : memref<100x2xf32, #tpu.memory_space<vmem>>, vector<100x2xf32>
      %dot_general3A_232 = arith.constant dense<0.000000e+00> : vector<64x2xf32>
      %dot_general3A_233 = tpu.matmul %max3A_228, %get3A_231, %dot_general3A_232 {dimension_numbers = #tpu.dot_dimension_numbers<[1], [0], [0], [1], [0, 0, 1, 1], [], []>, transpose_lhs_hint = false} : vector<64x100xf32>, vector<100x2xf32>, vector<64x2xf32> -> vector<64x2xf32>
      %get3A_234 = arith.constant 0 : index
      %get3A_235 = arith.constant 0 : index
      %get3A_236 = vector.load %arg8[%get3A_234, %get3A_235] : memref<1x2xf32, #tpu.memory_space<vmem>>, vector<1x2xf32>
      %add3A_237 = vector.broadcast %get3A_236 : vector<1x2xf32> to vector<64x2xf32>
      %add3A_238 = arith.addf %dot_general3A_233, %add3A_237 : vector<64x2xf32>
      %reduce_max3A = arith.constant dense<0xFF800000> : vector<64xf32>
      %reduce_max3A_239 = vector.multi_reduction <maximumf>, %add3A_238, %reduce_max3A [1] : vector<64x2xf32> to vector<64xf32>
      %broadcast_in_dim3A_240 = vector.shape_cast %reduce_max3A_239 : vector<64xf32> to vector<64x1xf32>
      %sub3A = vector.broadcast %broadcast_in_dim3A_240 : vector<64x1xf32> to vector<64x2xf32>
      %sub3A_241 = arith.subf %add3A_238, %sub3A : vector<64x2xf32>
      %exp3A = math.exp %sub3A_241 : vector<64x2xf32>
      %reduce_sum3A_242 = arith.constant dense<0.000000e+00> : vector<64xf32>
      %reduce_sum3A_243 = vector.multi_reduction <add>, %exp3A, %reduce_sum3A_242 [1] : vector<64x2xf32> to vector<64xf32>
      %broadcast_in_dim3A_244 = vector.shape_cast %reduce_sum3A_243 : vector<64xf32> to vector<64x1xf32>
      %log3A = math.log %broadcast_in_dim3A_244 : vector<64x1xf32>
      %add3A_245 = arith.addf %log3A, %broadcast_in_dim3A_240 : vector<64x1xf32>
      %sub3A_246 = vector.broadcast %add3A_245 : vector<64x1xf32> to vector<64x2xf32>
      %sub3A_247 = arith.subf %add3A_238, %sub3A_246 : vector<64x2xf32>
      %swap3A_248 = arith.constant 0 : index
      %swap3A_249 = arith.constant 0 : index
      %swap3A_250 = vector.load %arg9[%swap3A_248, %swap3A_249] : memref<64x2xf32, #tpu.memory_space<vmem>>, vector<64x2xf32>
      tpu.vector_store %arg9[%swap3A_248, %swap3A_249], %sub3A_247 {strides = array<i32>} : memref<64x2xf32, #tpu.memory_space<vmem>>, vector<64x2xf32>,
    } else {
    }
    return
  }
  func.func @transform_0(%arg0: i32) -> (i32, i32) {
    %c0_i32 = arith.constant 0 : i32
    %c0_i32_0 = arith.constant 0 : i32
    return %arg0, %c0_i32 : i32, i32
  }
  func.func @transform_1(%arg0: i32) -> (i32, i32, i32) {
    %c0_i32 = arith.constant 0 : i32
    %c0_i32_0 = arith.constant 0 : i32
    %c0_i32_1 = arith.constant 0 : i32
    return %c0_i32, %arg0, %c0_i32_0 : i32, i32, i32
  }
  func.func @transform_2(%arg0: i32) -> (i32, i32) {
    %c0_i32 = arith.constant 0 : i32
    %c0_i32_0 = arith.constant 0 : i32
    %c0_i32_1 = arith.constant 0 : i32
    return %c0_i32, %c0_i32_0 : i32, i32
  }
  func.func @transform_3(%arg0: i32) -> (i32, i32, i32) {
    %c0_i32 = arith.constant 0 : i32
    %c0_i32_0 = arith.constant 0 : i32
    %c0_i32_1 = arith.constant 0 : i32
    return %arg0, %c0_i32, %c0_i32_0 : i32, i32, i32
  }
  func.func @transform_4(%arg0: i32) -> (i32, i32) {
    %c0_i32 = arith.constant 0 : i32
    %c0_i32_0 = arith.constant 0 : i32
    %c0_i32_1 = arith.constant 0 : i32
    return %c0_i32, %c0_i32_0 : i32, i32
  }
  func.func @transform_5(%arg0: i32) -> (i32, i32) {
    %c0_i32 = arith.constant 0 : i32
    %c0_i32_0 = arith.constant 0 : i32
    %c0_i32_1 = arith.constant 0 : i32
    return %c0_i32, %c0_i32_0 : i32, i32
  }
  func.func @transform_6(%arg0: i32) -> (i32, i32) {
    %c0_i32 = arith.constant 0 : i32
    %c0_i32_0 = arith.constant 0 : i32
    %c0_i32_1 = arith.constant 0 : i32
    return %c0_i32, %c0_i32_0 : i32, i32
  }
  func.func @transform_7(%arg0: i32) -> (i32, i32) {
    %c0_i32 = arith.constant 0 : i32
    %c0_i32_0 = arith.constant 0 : i32
    %c0_i32_1 = arith.constant 0 : i32
    return %c0_i32, %c0_i32_0 : i32, i32
  }
  func.func @transform_8(%arg0: i32) -> (i32, i32) {
    %c0_i32 = arith.constant 0 : i32
    %c0_i32_0 = arith.constant 0 : i32
    %c0_i32_1 = arith.constant 0 : i32
    return %c0_i32, %c0_i32_0 : i32, i32
  }
}

</mosaic_0001>

<sc_bundles>
// kernel: kernel.10.cloned.1.call-start
scs
__scs_entry_jumppad:
0x0: {  	(pc) =	sbr.rel $0x88, $3  }
0x1: {  	(tag) =	ssettag $0x0;
	lr =	simm.s32 $0x1  }
0x2: {  	[smem:$0x3F88] =	sst lr;
	_ =	strace $0xD0000000  }
0x3: {  	_ = 	snop  }
0x4: {  	_ = 	snop  }
0x5: {  	_ = 	snop  }
0x6: {  	_ = 	snop  }
0x7: {  	_ = 	snop  }
__scs_overlays_trampoline_lowered:
0x8: {  	[smem:$0x3F97] =	sst s0  }
0x9: {  	[smem:$0x3F98] =	sst s1  }
0xa: {  	[smem:$0x3F99] =	sst s2  }
0xb: {  	[smem:$0x3F9A] =	sst s3  }
0xc: {  	[smem:$0x3F9B] =	sst s4  }
0xd: {  	[smem:$0x3F9C] =	sst s5  }
0xe: {  	[smem:$0x3F9D] =	sst s6  }
0xf: {  	[smem:$0x3F9E] =	sst s7  }
0x10: {  	[smem:$0x3F9F] =	sst s8  }
0x11: {  	[smem:$0x3FA0] =	sst s9;
	s0 =	simm.s32 @!p0 $0x0  }
0x12: {  	s1 =	sld [smem:$0x3F86];
	s0 =	simm.s32 @p0 $0x1  }
0x13: {  	[smem:$0x3FA1] =	sst s0;
	s0 =	simm.s32 @!p1 $0x0  }
0x14: {  	s2 =	sld [smem:$0x3F85];
	s0 =	simm.s32 @p1 $0x1  }
0x15: {  	[smem:$0x3FA2] =	sst s0;
	s0 =	simm.s32 @!p2 $0x0  }
0x16: {  	s3 =	sld [smem:$0x3FDB];
	s0 =	simm.s32 @p2 $0x1  }
0x17: {  	s4 =	simm.s32 $0x1BF5;
	[smem:$0x3FA4] =	sst s0  }
0x18: {  	s0 =	sld [smem:$0x3F87];
	_ =	swait.ge [sflag:s4], $0x0  }
0x19: {  	s7 =	sld [smem:$0x3F88]  }
0x1a: {  	s8 =	sadd.s32 $0xFFFFE003, lr  }
0x1b: {  	s9 =	sadd.s32 $0xFFFFFEF7, lr;
	s5 =	simm.s32 $0xFFFFFFFF;
	p2 =	slt.u32 s8, $0xFFFFF086  }
0x1c: {  	p1 =	slt.u32 s9, $0xF7A;
	s5 =	simm.s32 @!p2 $0x0  }
0x1d: {  	s5 =	simm.s32 @p1 $0x1;
	p0 =	seq.s32 s7, s2  }
0x1e: {  	s7 =	smul.u32 @!p0 $0xF7A, s2;
	p2 =	seq.s32 @!p0 s5, $0x0  }
0x1f: {  	s9 =	smul.u32 $0xF7A, s1;
	s8 =	simm.s32 @!p0 $0x1BF5;
	p2 =	por !p2, p0  }
0x20: {  	[sflag:s8] =	ssyncset.s32 @!p0 $0xFFFFF086;
	s6 =	sadd.s32 @!p0 s3, s7;
	s7 =	simm.s32 @!p0 $0x108  }
0x21: {  	s3 =	sadd.s32 s3, s9;
	s6 =	sadd.s32 @!p0 $0x88, s6;
	s7 =	simm.s32 @p2 $0x1082  }
0x22: {  	[simem:s7], [sflag:s8] =	dma.local @!p0 [hbm:s6], $0xF7A  }
0x23: {  	s9 =	sor.u32 $0xD0000000, s2;
	s6 =	simm.s32 $0x108;
	_ =	swait.ge @!p0 [sflag:s8], $0x0  }
0x24: {  	s3 =	sadd.s32 $0x88, s3;
	s6 =	simm.s32 @!p1 $0x1082;
	[sflag:s4] =	ssyncset.s32 $0xFFFFF086  }
0x25: {  	[simem:s6], [sflag:s4] =	dma.local [hbm:s3], $0xF7A  }
0x26: {  	[smem:$0x3F88] =	sst s1;
	(tag) =	ssettag s2;
	_ =	strace s9  }
0x27: {  	s1 =	sld [smem:$0x3F98]  }
0x28: {  	s2 =	sld [smem:$0x3F99]  }
0x29: {  	s4 =	sld [smem:$0x3F9B]  }
0x2a: {  	p0 =	seq.s32 s5, $0x0;
	s5 =	sld [smem:$0x3F9C]  }
0x2b: {  	s6 =	sld [smem:$0x3F9D]  }
0x2c: {  	s7 =	sld [smem:$0x3F9E]  }
0x2d: {  	s3 =	simm.s32 $0x108;
	s8 =	sld [smem:$0x3F9F]  }
0x2e: {  	s3 =	simm.s32 @!p0 $0x1082;
	s9 =	sld [smem:$0x3FA0]  }
0x2f: {  	lr =	sadd.s32 s0, s3;
	s0 =	sld [smem:$0x3F97]  }
0x30: {  	s3 =	sld [smem:$0x3F9A]  }
0x31: {  	[smem:$0x3FA3] =	sst s10  }
0x32: {  	s10 =	sld [smem:$0x3FA1];
	_ =	sdelay $0x3  }
0x33: {  	p0 =	seq.s32 s10, $0x1;
	s10 =	sld [smem:$0x3FA3];
	_ =	sdelay $0x3  }
0x34: {  	[smem:$0x3FA3] =	sst s10  }
0x35: {  	s10 =	sld [smem:$0x3FA2];
	_ =	sdelay $0x3  }
0x36: {  	p1 =	seq.s32 s10, $0x1;
	s10 =	sld [smem:$0x3FA3];
	_ =	sdelay $0x3  }
0x37: {  	[smem:$0x3FA3] =	sst s10  }
0x38: {  	s10 =	sld [smem:$0x3FA4]  }
0x39: {  	_ = 	snop;
	(pc) =	sbr.ind lr, $3  }
0x3a: {  	_ = 	snop  }
0x3b: {  	_ = 	snop  }
0x3c: {  	p2 =	seq.s32 s10, $0x1;
	s10 =	sld [smem:$0x3FA3]  }
0x3d: {  	_ =	shalt  }
0x3e: {  	_ =	shalt  }
0x3f: {  	_ =	shalt  }
0x40: {  	_ =	shalt  }
0x41: {  	_ =	shalt  }
0x42: {  	_ =	shalt  }
0x43: {  	_ =	shalt  }
0x44: {  	_ =	shalt  }
0x45: {  	_ =	shalt  }
0x46: {  	_ =	shalt  }
0x47: {  	_ =	shalt  }
0x48: {  	_ =	shalt  }
0x49: {  	_ =	shalt  }
0x4a: {  	_ =	shalt  }
0x4b: {  	_ =	shalt  }
0x4c: {  	_ =	shalt  }
0x4d: {  	_ =	shalt  }
0x4e: {  	_ =	shalt  }
0x4f: {  	_ =	shalt  }
0x50: {  	_ =	shalt  }
0x51: {  	_ =	shalt  }
0x52: {  	_ =	shalt  }
0x53: {  	_ =	shalt  }
0x54: {  	_ =	shalt  }
0x55: {  	_ =	shalt  }
0x56: {  	_ =	shalt  }
0x57: {  	_ =	shalt  }
0x58: {  	_ =	shalt  }
0x59: {  	_ =	shalt  }
0x5a: {  	_ =	shalt  }
0x5b: {  	_ =	shalt  }
0x5c: {  	_ =	shalt  }
0x5d: {  	_ =	shalt  }
0x5e: {  	_ =	shalt  }
0x5f: {  	_ =	shalt  }
0x60: {  	_ =	shalt  }
0x61: {  	_ =	shalt  }
0x62: {  	_ =	shalt  }
0x63: {  	_ =	shalt  }
0x64: {  	_ =	shalt  }
0x65: {  	_ =	shalt  }
0x66: {  	_ =	shalt  }
0x67: {  	_ =	shalt  }
0x68: {  	_ =	shalt  }
0x69: {  	_ =	shalt  }
0x6a: {  	_ =	shalt  }
0x6b: {  	_ =	shalt  }
0x6c: {  	_ =	shalt  }
0x6d: {  	_ =	shalt  }
0x6e: {  	_ =	shalt  }
0x6f: {  	_ =	shalt  }
0x70: {  	_ =	shalt  }
0x71: {  	_ =	shalt  }
0x72: {  	_ =	shalt  }
0x73: {  	_ =	shalt  }
0x74: {  	_ =	shalt  }
0x75: {  	_ =	shalt  }
0x76: {  	_ =	shalt  }
0x77: {  	_ =	shalt  }
0x78: {  	_ =	shalt  }
0x79: {  	_ =	shalt  }
0x7a: {  	_ =	shalt  }
0x7b: {  	_ =	shalt  }
0x7c: {  	_ =	shalt  }
0x7d: {  	_ =	shalt  }
0x7e: {  	_ =	shalt  }
0x7f: {  	_ =	shalt  }
0x80: {  	_ =	shalt  }
0x81: {  	_ =	shalt  }
0x82: {  	_ =	shalt  }
0x83: {  	_ =	shalt  }
0x84: {  	_ =	shalt  }
0x85: {  	_ =	shalt  }
0x86: {  	_ =	shalt  }
0x87: {  	_ =	shalt  }
.Lfunc_end0:
.L_simem_size_0:
called_computation.1_lowered:
.L_overlay_start_0:
0x88: {  	s2 =	sld [smem:$0x3FD9]  }
0x89: {  	s3 =	sld [smem:$0x3FFE];
	_ =	sdelay $0x1  }
0x8a: {  	s1 =	srdreg.scid  }
0x8b: {  	s0 =	sand.u32 $0x1, s1  }
0x8c: {  	s16 =	sshll.u32 s0, $0xA;
	s2 =	sadd.s32 s3, s2  }
0x8d: {  	s2 =	sadd.s32 s2, s16  }
0x8e: {  	[smem:$0x3FAF] =	sst s2  }
0x8f: {  	_ = 	snop  }
0x90: {  	(tm) =	ssettm $0x1  }
0x91: {  	s17 =	sld [smem:$0x3FFB];
	_ =	sdelay $0x3  }
0x92: {  	_ =	strace s17  }
0x93: {  	s2 =	sld [smem:$0x3FFC];
	_ =	sdelay $0x3  }
0x94: {  	_ =	strace s2  }
0x95: {  	s2 =	sld [smem:$0x3FFD];
	_ =	sdelay $0x3  }
0x96: {  	_ =	strace s2  }
0x97: {  	_ =	strace $0x8FFFFFFF  }
0x98: {  	s18 =	sld [smem:$0x3FDB];
	_ =	sdelay $0x1  }
0x99: {  	s19 =	simm.s32 $_scs_section_size  }
0x9a: {  	s4 =	simm.s32 $_size__tile_overlayer_lowered;
	s5 =	simm.s32 $_tile_overlayer_lowered  }
0x9b: {  	s22 =	simm.s32 $0x1BFF;
	s21 =	sshll.u32 s5, $0x1;
	s2 =	sadd.s32 s19, s18  }
0x9c: {  	s6 =	simm.s32 $0x0;
	s20 =	sshll.u32 s4, $0x1;
	s4 =	sadd.s32 s21, s2  }
0x9d: {  	[timem:s6], [sflag:s22] =	dma.local [hbm:s4], s20  }
0x9e: {  	_ =	swait.ge [sflag:s22], s20  }
0x9f: {  	s3 =	ssub.s32 $0x0, s20;
	[sflag:s22] =	ssyncset.done $0x0  }
0xa0: {  	[sflag:s22] =	ssyncadd.s32 s3;
	_ =	sdelay $0x1  }
0xa1: {  	s23 =	simm.s32 $0x1B8B  }
0xa2: {  	_ =	swait.ge [sflag:s23], $0x1  }
0xa3: {  	[sflag:s23] =	ssyncset.done $0x0  }
0xa4: {  	s25 =	simm.s32 $0x1B8E;
	s24 =	sld [smem:$0x3FFE];
	[sflag:s23] =	ssyncadd.s32 $0xFFFFFFFF  }
0xa5: {  	s26 =	simm.s32 $execute0_lowered;
	[smem:$0x3FD2] =	sst s25  }
0xa6: {  	s4 =	sshll.u32 s26, $0x1;
	_ =	strace $0x80000049;
	[dreg:$0x1] =	wrdreg $0xFFFFFFFF  }
0xa7: {  	s28 =	simm.s32 $_size_execute0_lowered;
	s2 =	sadd.s32 s2, s4;
	[dreg:$0x0] =	wrdreg $0x0  }
0xa8: {  	s4 =	sshll.u32 s28, $0x1;
	[dreg:$0x2] =	wrdreg s2  }
0xa9: {  	[dreg:$0x3] =	wrdreg s4  }
0xaa: {  	[dreg:$0x4] =	wrdreg $0xC0  }
0xab: {  	_ =	task [dreg:s6], $0x5FFFF  }
0xac: {  	[dreg:$0x1] =	wrdreg $0xFFFFFFFF  }
0xad: {  	[dreg:$0x0] =	wrdreg $0x60  }
0xae: {  	[dreg:$0x2] =	wrdreg s24  }
0xaf: {  	[dreg:$0x3] =	wrdreg $0x62C00  }
0xb0: {  	[dreg:$0x4] =	wrdreg $0x100C00  }
0xb1: {  	[dreg:$0x5] =	wrdreg $0x9  }
0xb2: {  	_ =	task.clear_ibuf [dreg:s6], $0x6FFFF;
	_ =	strace $0x90000049  }
0xb3: {  	s29 =	simm.s32 $0x9;
	_ =	strace $0x8000004B  }
0xb4: {  	_ =	swait.ge [sflag:s29], $0x1  }
0xb5: {  	[sflag:s29] =	ssyncadd.s32 $0xFFFFFFFF  }
0xb6: {  	_ =	strace $0x9000004B  }
0xb7: {  	_ =	sfence  }
0xb8: {  	s30 =	sld [smem:$0x0];
	_ =	sdelay $0x2  }
0xb9: {  	s31 =	sshll.u32 s1, $0xD;
	s1 =	sshrl.u32 s1, $0x2  }
0xba: {  	s3 =	sand.u32 $0x4000, s31;
	s1 =	sadd.s32 s1, s30  }
0xbb: {  	s0 =	sor.u32 s3, s0;
	s1 =	sshll.u32 s1, $0x11  }
0xbc: {  	s0 =	sor.u32 s1, s0  }
0xbd: {  	s0 =	sadd.s32 $0x8F2B, s0  }
0xbe: {  	[sflag:s0] =	ssyncadd.remote.s32 $0x1  }
0xbf: {  	_ =	sfence.sel $0xFFFF  }
0xc0: {  	[dreg:$0x0] =	wrdreg $0xFFFFFFFF;
	(pc) =	sbr.abs _section_cstart, $3  }
0xc1: {  	[dreg:$0x1] =	wrdreg $0xFFFFFFFF  }
0xc2: {  	_ =	task.clear_ibuf [dreg:s6], $0x2FFFF;
	_ =	strace $0x9FFFFFFF  }
0xc3: {  	(tm) =	ssettm $0x7FFFFFFF  }
tec
execute0_lowered:
.L_overlay_start_1:
0x0: {  	(tag) =	ssettag $0x1  }
0x1: {  	s5 =	rddreg [dreg:$0x0]  }
0x2: {  	s2 =	rddreg [dreg:$0x1]  }
0x3: {  	s3 =	rddreg [dreg:$0x2]  }
0x4: {  	s0 =	rddreg [dreg:$0x3]  }
0x5: {  	s1 =	stileid.u32;
	s6 =	srdreg.scid  }
0x6: {  	s4 =	simm.s32 $0x0;
	s16 =	simm.s32 $0x50;
	s17 =	simm.s32 $0x4EC0  }
0x7: {  	s18 =	simm.s32 $0x1;
	s19 =	simm.s32 $0x0;
	s7 =	smul.u32 $0x9E00, s1  }
0x8: {  	s6 =	sand.u32 $0x1, s6;
	[smem:$0x7FF] =	sst s4;
	s8 =	sshll.u32 s1, $0x1  }
0x9: {  	s31 =	sshll.u32 s1, $0x6;
	s9 =	smul.u32 $0x9E000, s6;
	_ =	strace $0x8000004A  }
0xa: {  	s8 =	sor.u32 s6, s8;
	s6 =	ssub.s32 $0x2, s6;
	s10 =	sshrl.u32 s7, $0x3  }
0xb: {  	s8 =	smul.u32 $0x4EC, s8;
	s11 =	sshrl.u32 s6, $0x1;
	s14 =	sadd.s32 s7, s2  }
0xc: {  	s15 =	sadd.s32 s7, s3;
	s9 =	sadd.s32 s7, s9;
	s10 =	sadd.s32 s10, s5  }
0xd: {  	s11 =	ssub.s32 s6, s11;
	s6 =	sor.u32 $0x1C02, s31;
	s9 =	sshrl.u32 s9, $0x3  }
0xe: {  	s12 =	sadd.s32 s8, s5;
	s7 =	sadd.s32 $0x2800, s10;
	s11 =	smax.u32 s11, $0x1  }
0xf: {  	s13 =	sadd.s32 s9, s5;
	s5 =	sadd.s32 $0x2A000, s10;
	s8 =	sadd.s32 $0x16400, s12  }
0x10: {  	s9 =	sadd.s32 $0x20200, s12;
	s12 =	sshrl.u32 s14, $0x3;
	s14 =	sshrl.u32 s15, $0x3  }
0x11: {  	s15 =	simm.s32 $0x2760;
	s10 =	sadd.s32 $0x3DC00, s13;
	s13 =	simm.s32 $0x2  }
.LBB2_1:
0x12: {  	[spmem:s12], [sflag:s6] =	dma.local [hbm:s5], $0x13C0  }
0x13: {  	_ =	swait.ge [sflag:s13], $0x13C0  }
0x14: {  	[sflag:s13] =	ssyncset.done $0x0  }
0x15: {  	[sflag:s13] =	ssyncadd.s32 $0xFFFFEC40  }
0x16: {  	[spmem:s14], [sflag:s6] =	dma.local [hbm:s7], $0x13C0  }
0x17: {  	_ =	swait.ge [sflag:s13], $0x13C0  }
0x18: {  	[sflag:s13] =	ssyncset.done $0x0  }
0x19: {  	[sflag:s13] =	ssyncadd.s32 $0xFFFFEC40  }
0x1a: {  	[tilespmem:s4], [sflag:$0x2] =	stream.linear.gather [hbm4b:s8+s4], $0x2760, $0x38;
	[tilespmem:$0x19EC0] =	vst v63  }
0x1b: {  	_ =	swait.ge [sflag:s13], $0x2760  }
0x1c: {  	[sflag:s13] =	ssyncset.done $0x0  }
0x1d: {  	[sflag:s13] =	ssyncadd.s32 $0xFFFFD8A0  }
0x1e: {  	[tilespmem:s15], [sflag:$0x2] =	stream.linear.gather [hbm4b:s9+s4], $0x2760, $0x38;
	[tilespmem:$0x19EC0] =	vst v63  }
0x1f: {  	_ =	swait.ge [sflag:s13], $0x2760  }
0x20: {  	[sflag:s13] =	ssyncset.done $0x0  }
0x21: {  	[sflag:s13] =	ssyncadd.s32 $0xFFFFD8A0  }
0x22: {  	[bflag:$0x0] =	sbarrier.arrive $0xFFFF  }
0x23: {  	[tilespmem:s17], [sflag:$0x1] =	stream.indirect.gather [spmem:s3], $0x40, s4, s16, $0xb8;
	[tilespmem:$0x19EC0] =	vst v63  }
0x24: {  	_ =	swait.ge [sflag:s18], $0x1400  }
0x25: {  	[sflag:s18] =	ssyncset.done $0x0  }
0x26: {  	s20 =	simm.s32 $0x2760;
	[sflag:s18] =	ssyncadd.s32 $0xFFFFEC00  }
0x27: {  	[spmem:s2] =	stream.indirect.scatter.add.f32 [tilespmem:s17], [sflag:$0x2], $0x40, s20, s16, $0xb8;
	[tilespmem:$0x19EC0] =	vst v63  }
0x28: {  	_ =	swait.ge [sflag:s13], $0x1400  }
0x29: {  	[sflag:s13] =	ssyncset.done $0x0  }
0x2a: {  	s21 =	simm.s32 $0x50;
	s20 =	simm.s32 $0x140;
	[sflag:s13] =	ssyncadd.s32 $0xFFFFEC00  }
.LBB2_2:
0x2b: {  	[tilespmem:s17], [sflag:$0x1] =	stream.indirect.gather [spmem:s3], $0x40, s21, s16, $0xb8;
	[tilespmem:$0x19EC0] =	vst v63  }
0x2c: {  	s21 =	smov.u32 s20  }
0x2d: {  	p0 =	sne.s32 s20, $0x9B00;
	s20 =	sadd.s32 $0x140, s20;
	_ =	swait.ge [sflag:s18], $0x1400  }
0x2e: {  	s21 =	sshra.s32 s21, $0x2;
	[sflag:s18] =	ssyncset.done $0x0  }
.Ltmp0:
0x2f: {  	s22 =	sadd.s32 $0x2760, s21;
	[sflag:s18] =	ssyncadd.s32 $0xFFFFEC00;
	(pc) =	sbr.rel @p0 .LBB2_2-.Ltmp0, $4  }
0x30: {  	[spmem:s2] =	stream.indirect.scatter.add.f32 [tilespmem:s17], [sflag:$0x2], $0x40, s22, s16, $0xb8;
	[tilespmem:$0x19EC0] =	vst v63  }
0x31: {  	_ =	swait.ge [sflag:s13], $0x1400  }
0x32: {  	[sflag:s13] =	ssyncset.done $0x0  }
0x33: {  	s21 =	sadd.s32 $0x50, s21;
	[sflag:s13] =	ssyncadd.s32 $0xFFFFEC00  }
0x34: {  	[tilespmem:s17], [sflag:$0x1] =	stream.indirect.gather [spmem:s3], $0x40, s21, s16, $0xb8;
	[tilespmem:$0x19EC0] =	vst v63  }
0x35: {  	_ =	swait.ge [sflag:s18], $0x1400  }
0x36: {  	s19 =	sadd.s32 $0x1, s19;
	[sflag:s18] =	ssyncset.done $0x0  }
0x37: {  	p0 =	sne.s32 s19, s11;
	[sflag:s18] =	ssyncadd.s32 $0xFFFFEC00  }
.Ltmp1:
0x38: {  	[bflag:$0x0] =	sbarrier.arrive $0xFFFF;
	(pc) =	sbr.rel @p0 .LBB2_1-.Ltmp1, $4  }
0x39: {  	[hbm:s10], [sflag:s6] =	dma.local [spmem:s12], $0x13C0  }
0x3a: {  	_ =	swait.ge [sflag:s13], $0x13C0  }
0x3b: {  	[sflag:s13] =	ssyncset.done $0x0  }
0x3c: {  	[sflag:s13] =	ssyncadd.s32 $0xFFFFEC40  }
0x3d: {  	_ =	sfence.sel $0x180000  }
0x3e: {  	[bflag:$0x0] =	sbarrier.arrive $0xFFFF  }
0x3f: {  	p0 =	sne.s32 s1, $0x0;
	_ =	strace $0x9000004A  }
0x40: {  	s0 =	sadd.s32 @!p0 $0x100000, s0;
	[bflag:$0x2] =	sbarrier.arrive $0xFFFF  }
0x41: {  	[sflag:s0] =	ssyncadd.tile.s32 @!p0 $0x1;
	_ =	shalt  }
.Lfunc_end2:
_tile_overlayer_lowered:
.L_overlay_start_2:
0x42: {  	(tag) =	ssettag $0x2  }
0x43: {  	s0 =	rddreg [dreg:$0x0];
	s2 =	stileid.u32  }
0x44: {  	s1 =	rddreg [dreg:$0x1];
	p0 =	sne.s32 s2, $0x0  }
0x45: {  	s3 =	rddreg [dreg:$0x2];
	[bflag:$0x3] =	sbarrier.arrive $0xFFFF;
	s2 =	simm.s32 @!p0 $0x1C02  }
0x46: {  	[timem:s3], [sflag:s2] =	dma.local @!p0 [hbm:s0], s1  }
0x47: {  	s0 =	simm.s32 @!p0 $0x2  }
0x48: {  	_ =	swait.ge @!p0 [sflag:s0], s1  }
0x49: {  	s1 =	ssub.s32 @!p0 $0x0, s1;
	[sflag:s0] =	ssyncset.done @!p0 $0x0  }
0x4a: {  	[sflag:s0] =	ssyncadd.s32 @!p0 s1  }
0x4b: {  	[bflag:$0x3] =	sbarrier.arrive $0xFFFF  }
0x4c: {  	_ =	shalt  }

// kernel: kernel.7.cloned.1.call-start
scs
__scs_entry_jumppad:
0x0: {  	(pc) =	sbr.rel $0x88, $3  }
0x1: {  	(tag) =	ssettag $0x0;
	lr =	simm.s32 $0x1  }
0x2: {  	[smem:$0x3F88] =	sst lr;
	_ =	strace $0xD0000000  }
0x3: {  	_ = 	snop  }
0x4: {  	_ = 	snop  }
0x5: {  	_ = 	snop  }
0x6: {  	_ = 	snop  }
0x7: {  	_ = 	snop  }
__scs_overlays_trampoline_lowered:
0x8: {  	[smem:$0x3F97] =	sst s0  }
0x9: {  	[smem:$0x3F98] =	sst s1  }
0xa: {  	[smem:$0x3F99] =	sst s2  }
0xb: {  	[smem:$0x3F9A] =	sst s3  }
0xc: {  	[smem:$0x3F9B] =	sst s4  }
0xd: {  	[smem:$0x3F9C] =	sst s5  }
0xe: {  	[smem:$0x3F9D] =	sst s6  }
0xf: {  	[smem:$0x3F9E] =	sst s7  }
0x10: {  	[smem:$0x3F9F] =	sst s8  }
0x11: {  	[smem:$0x3FA0] =	sst s9;
	s0 =	simm.s32 @!p0 $0x0  }
0x12: {  	s1 =	sld [smem:$0x3F86];
	s0 =	simm.s32 @p0 $0x1  }
0x13: {  	[smem:$0x3FA1] =	sst s0;
	s0 =	simm.s32 @!p1 $0x0  }
0x14: {  	s2 =	sld [smem:$0x3F85];
	s0 =	simm.s32 @p1 $0x1  }
0x15: {  	[smem:$0x3FA2] =	sst s0;
	s0 =	simm.s32 @!p2 $0x0  }
0x16: {  	s3 =	sld [smem:$0x3FDB];
	s0 =	simm.s32 @p2 $0x1  }
0x17: {  	s4 =	simm.s32 $0x1BF5;
	[smem:$0x3FA4] =	sst s0  }
0x18: {  	s0 =	sld [smem:$0x3F87];
	_ =	swait.ge [sflag:s4], $0x0  }
0x19: {  	s7 =	sld [smem:$0x3F88]  }
0x1a: {  	s8 =	sadd.s32 $0xFFFFE003, lr  }
0x1b: {  	s9 =	sadd.s32 $0xFFFFFEF7, lr;
	s5 =	simm.s32 $0xFFFFFFFF;
	p2 =	slt.u32 s8, $0xFFFFF086  }
0x1c: {  	p1 =	slt.u32 s9, $0xF7A;
	s5 =	simm.s32 @!p2 $0x0  }
0x1d: {  	s5 =	simm.s32 @p1 $0x1;
	p0 =	seq.s32 s7, s2  }
0x1e: {  	s7 =	smul.u32 @!p0 $0xF7A, s2;
	p2 =	seq.s32 @!p0 s5, $0x0  }
0x1f: {  	s9 =	smul.u32 $0xF7A, s1;
	s8 =	simm.s32 @!p0 $0x1BF5;
	p2 =	por !p2, p0  }
0x20: {  	[sflag:s8] =	ssyncset.s32 @!p0 $0xFFFFF086;
	s6 =	sadd.s32 @!p0 s3, s7;
	s7 =	simm.s32 @!p0 $0x108  }
0x21: {  	s3 =	sadd.s32 s3, s9;
	s6 =	sadd.s32 @!p0 $0x88, s6;
	s7 =	simm.s32 @p2 $0x1082  }
0x22: {  	[simem:s7], [sflag:s8] =	dma.local @!p0 [hbm:s6], $0xF7A  }
0x23: {  	s9 =	sor.u32 $0xD0000000, s2;
	s6 =	simm.s32 $0x108;
	_ =	swait.ge @!p0 [sflag:s8], $0x0  }
0x24: {  	s3 =	sadd.s32 $0x88, s3;
	s6 =	simm.s32 @!p1 $0x1082;
	[sflag:s4] =	ssyncset.s32 $0xFFFFF086  }
0x25: {  	[simem:s6], [sflag:s4] =	dma.local [hbm:s3], $0xF7A  }
0x26: {  	[smem:$0x3F88] =	sst s1;
	(tag) =	ssettag s2;
	_ =	strace s9  }
0x27: {  	s1 =	sld [smem:$0x3F98]  }
0x28: {  	s2 =	sld [smem:$0x3F99]  }
0x29: {  	s4 =	sld [smem:$0x3F9B]  }
0x2a: {  	p0 =	seq.s32 s5, $0x0;
	s5 =	sld [smem:$0x3F9C]  }
0x2b: {  	s6 =	sld [smem:$0x3F9D]  }
0x2c: {  	s7 =	sld [smem:$0x3F9E]  }
0x2d: {  	s3 =	simm.s32 $0x108;
	s8 =	sld [smem:$0x3F9F]  }
0x2e: {  	s3 =	simm.s32 @!p0 $0x1082;
	s9 =	sld [smem:$0x3FA0]  }
0x2f: {  	lr =	sadd.s32 s0, s3;
	s0 =	sld [smem:$0x3F97]  }
0x30: {  	s3 =	sld [smem:$0x3F9A]  }
0x31: {  	[smem:$0x3FA3] =	sst s10  }
0x32: {  	s10 =	sld [smem:$0x3FA1];
	_ =	sdelay $0x3  }
0x33: {  	p0 =	seq.s32 s10, $0x1;
	s10 =	sld [smem:$0x3FA3];
	_ =	sdelay $0x3  }
0x34: {  	[smem:$0x3FA3] =	sst s10  }
0x35: {  	s10 =	sld [smem:$0x3FA2];
	_ =	sdelay $0x3  }
0x36: {  	p1 =	seq.s32 s10, $0x1;
	s10 =	sld [smem:$0x3FA3];
	_ =	sdelay $0x3  }
0x37: {  	[smem:$0x3FA3] =	sst s10  }
0x38: {  	s10 =	sld [smem:$0x3FA4]  }
0x39: {  	_ = 	snop;
	(pc) =	sbr.ind lr, $3  }
0x3a: {  	_ = 	snop  }
0x3b: {  	_ = 	snop  }
0x3c: {  	p2 =	seq.s32 s10, $0x1;
	s10 =	sld [smem:$0x3FA3]  }
0x3d: {  	_ =	shalt  }
0x3e: {  	_ =	shalt  }
0x3f: {  	_ =	shalt  }
0x40: {  	_ =	shalt  }
0x41: {  	_ =	shalt  }
0x42: {  	_ =	shalt  }
0x43: {  	_ =	shalt  }
0x44: {  	_ =	shalt  }
0x45: {  	_ =	shalt  }
0x46: {  	_ =	shalt  }
0x47: {  	_ =	shalt  }
0x48: {  	_ =	shalt  }
0x49: {  	_ =	shalt  }
0x4a: {  	_ =	shalt  }
0x4b: {  	_ =	shalt  }
0x4c: {  	_ =	shalt  }
0x4d: {  	_ =	shalt  }
0x4e: {  	_ =	shalt  }
0x4f: {  	_ =	shalt  }
0x50: {  	_ =	shalt  }
0x51: {  	_ =	shalt  }
0x52: {  	_ =	shalt  }
0x53: {  	_ =	shalt  }
0x54: {  	_ =	shalt  }
0x55: {  	_ =	shalt  }
0x56: {  	_ =	shalt  }
0x57: {  	_ =	shalt  }
0x58: {  	_ =	shalt  }
0x59: {  	_ =	shalt  }
0x5a: {  	_ =	shalt  }
0x5b: {  	_ =	shalt  }
0x5c: {  	_ =	shalt  }
0x5d: {  	_ =	shalt  }
0x5e: {  	_ =	shalt  }
0x5f: {  	_ =	shalt  }
0x60: {  	_ =	shalt  }
0x61: {  	_ =	shalt  }
0x62: {  	_ =	shalt  }
0x63: {  	_ =	shalt  }
0x64: {  	_ =	shalt  }
0x65: {  	_ =	shalt  }
0x66: {  	_ =	shalt  }
0x67: {  	_ =	shalt  }
0x68: {  	_ =	shalt  }
0x69: {  	_ =	shalt  }
0x6a: {  	_ =	shalt  }
0x6b: {  	_ =	shalt  }
0x6c: {  	_ =	shalt  }
0x6d: {  	_ =	shalt  }
0x6e: {  	_ =	shalt  }
0x6f: {  	_ =	shalt  }
0x70: {  	_ =	shalt  }
0x71: {  	_ =	shalt  }
0x72: {  	_ =	shalt  }
0x73: {  	_ =	shalt  }
0x74: {  	_ =	shalt  }
0x75: {  	_ =	shalt  }
0x76: {  	_ =	shalt  }
0x77: {  	_ =	shalt  }
0x78: {  	_ =	shalt  }
0x79: {  	_ =	shalt  }
0x7a: {  	_ =	shalt  }
0x7b: {  	_ =	shalt  }
0x7c: {  	_ =	shalt  }
0x7d: {  	_ =	shalt  }
0x7e: {  	_ =	shalt  }
0x7f: {  	_ =	shalt  }
0x80: {  	_ =	shalt  }
0x81: {  	_ =	shalt  }
0x82: {  	_ =	shalt  }
0x83: {  	_ =	shalt  }
0x84: {  	_ =	shalt  }
0x85: {  	_ =	shalt  }
0x86: {  	_ =	shalt  }
0x87: {  	_ =	shalt  }
.Lfunc_end0:
.L_simem_size_0:
called_computation_lowered:
.L_overlay_start_0:
0x88: {  	s2 =	sld [smem:$0x3FD9]  }
0x89: {  	s3 =	sld [smem:$0x3FFE];
	_ =	sdelay $0x1  }
0x8a: {  	s1 =	srdreg.scid  }
0x8b: {  	s0 =	sand.u32 $0x1, s1  }
0x8c: {  	s16 =	sshll.u32 s0, $0xA;
	s2 =	sadd.s32 s3, s2  }
0x8d: {  	s2 =	sadd.s32 s2, s16  }
0x8e: {  	[smem:$0x3FAF] =	sst s2  }
0x8f: {  	_ = 	snop  }
0x90: {  	(tm) =	ssettm $0x1  }
0x91: {  	s17 =	sld [smem:$0x3FFB];
	_ =	sdelay $0x3  }
0x92: {  	_ =	strace s17  }
0x93: {  	s2 =	sld [smem:$0x3FFC];
	_ =	sdelay $0x3  }
0x94: {  	_ =	strace s2  }
0x95: {  	s2 =	sld [smem:$0x3FFD];
	_ =	sdelay $0x3  }
0x96: {  	_ =	strace s2  }
0x97: {  	_ =	strace $0x8FFFFFFF  }
0x98: {  	s18 =	sld [smem:$0x3FDB];
	_ =	sdelay $0x1  }
0x99: {  	s19 =	simm.s32 $_scs_section_size  }
0x9a: {  	s4 =	simm.s32 $_size__tile_overlayer_lowered;
	s5 =	simm.s32 $_tile_overlayer_lowered  }
0x9b: {  	s22 =	simm.s32 $0x1BFF;
	s21 =	sshll.u32 s5, $0x1;
	s2 =	sadd.s32 s19, s18  }
0x9c: {  	s6 =	simm.s32 $0x0;
	s20 =	sshll.u32 s4, $0x1;
	s4 =	sadd.s32 s21, s2  }
0x9d: {  	[timem:s6], [sflag:s22] =	dma.local [hbm:s4], s20  }
0x9e: {  	_ =	swait.ge [sflag:s22], s20  }
0x9f: {  	s3 =	ssub.s32 $0x0, s20;
	[sflag:s22] =	ssyncset.done $0x0  }
0xa0: {  	[sflag:s22] =	ssyncadd.s32 s3;
	_ =	sdelay $0x1  }
0xa1: {  	s23 =	simm.s32 $0x1B8B  }
0xa2: {  	_ =	swait.ge [sflag:s23], $0x1  }
0xa3: {  	[sflag:s23] =	ssyncset.done $0x0  }
0xa4: {  	s25 =	simm.s32 $0x1B8E;
	s24 =	sld [smem:$0x3FFE];
	[sflag:s23] =	ssyncadd.s32 $0xFFFFFFFF  }
0xa5: {  	s26 =	simm.s32 $execute0_lowered;
	[smem:$0x3FD2] =	sst s25  }
0xa6: {  	s4 =	sshll.u32 s26, $0x1;
	_ =	strace $0x80000046;
	[dreg:$0x1] =	wrdreg $0xFFFFFFFF  }
0xa7: {  	s28 =	simm.s32 $_size_execute0_lowered;
	s2 =	sadd.s32 s2, s4;
	[dreg:$0x0] =	wrdreg $0x0  }
0xa8: {  	s4 =	sshll.u32 s28, $0x1;
	[dreg:$0x2] =	wrdreg s2  }
0xa9: {  	[dreg:$0x3] =	wrdreg s4  }
0xaa: {  	[dreg:$0x4] =	wrdreg $0xC0  }
0xab: {  	_ =	task [dreg:s6], $0x5FFFF  }
0xac: {  	[dreg:$0x1] =	wrdreg $0xFFFFFFFF  }
0xad: {  	[dreg:$0x0] =	wrdreg $0x60  }
0xae: {  	[dreg:$0x2] =	wrdreg s24  }
0xaf: {  	[dreg:$0x3] =	wrdreg $0x62C00  }
0xb0: {  	[dreg:$0x4] =	wrdreg $0x100C00  }
0xb1: {  	[dreg:$0x5] =	wrdreg $0x9  }
0xb2: {  	_ =	task.clear_ibuf [dreg:s6], $0x6FFFF;
	_ =	strace $0x90000046  }
0xb3: {  	s29 =	simm.s32 $0x9;
	_ =	strace $0x80000048  }
0xb4: {  	_ =	swait.ge [sflag:s29], $0x1  }
0xb5: {  	[sflag:s29] =	ssyncadd.s32 $0xFFFFFFFF  }
0xb6: {  	_ =	strace $0x90000048  }
0xb7: {  	_ =	sfence  }
0xb8: {  	s30 =	sld [smem:$0x0];
	_ =	sdelay $0x2  }
0xb9: {  	s31 =	sshll.u32 s1, $0xD;
	s1 =	sshrl.u32 s1, $0x2  }
0xba: {  	s3 =	sand.u32 $0x4000, s31;
	s1 =	sadd.s32 s1, s30  }
0xbb: {  	s0 =	sor.u32 s3, s0;
	s1 =	sshll.u32 s1, $0x11  }
0xbc: {  	s0 =	sor.u32 s1, s0  }
0xbd: {  	s0 =	sadd.s32 $0x8F2B, s0  }
0xbe: {  	[sflag:s0] =	ssyncadd.remote.s32 $0x1  }
0xbf: {  	_ =	sfence.sel $0xFFFF  }
0xc0: {  	[dreg:$0x0] =	wrdreg $0xFFFFFFFF;
	(pc) =	sbr.abs _section_cstart, $3  }
0xc1: {  	[dreg:$0x1] =	wrdreg $0xFFFFFFFF  }
0xc2: {  	_ =	task.clear_ibuf [dreg:s6], $0x2FFFF;
	_ =	strace $0x9FFFFFFF  }
0xc3: {  	(tm) =	ssettm $0x7FFFFFFF  }
tec
execute0_lowered:
.L_overlay_start_1:
0x0: {  	(tag) =	ssettag $0x1  }
0x1: {  	s5 =	rddreg [dreg:$0x0]  }
0x2: {  	s2 =	rddreg [dreg:$0x1]  }
0x3: {  	s3 =	rddreg [dreg:$0x2]  }
0x4: {  	s0 =	rddreg [dreg:$0x3]  }
0x5: {  	s1 =	stileid.u32;
	s6 =	srdreg.scid  }
0x6: {  	s4 =	simm.s32 $0x0;
	s16 =	simm.s32 $0x50;
	s17 =	simm.s32 $0x4EC0  }
0x7: {  	s18 =	simm.s32 $0x1;
	s19 =	simm.s32 $0x0;
	s7 =	smul.u32 $0x9E00, s1  }
0x8: {  	s6 =	sand.u32 $0x1, s6;
	[smem:$0x7FF] =	sst s4;
	s8 =	sshll.u32 s1, $0x1  }
0x9: {  	s31 =	sshll.u32 s1, $0x6;
	s9 =	smul.u32 $0x9E000, s6;
	_ =	strace $0x80000047  }
0xa: {  	s8 =	sor.u32 s6, s8;
	s6 =	ssub.s32 $0x2, s6;
	s10 =	sshrl.u32 s7, $0x3  }
0xb: {  	s8 =	smul.u32 $0x4EC, s8;
	s11 =	sshrl.u32 s6, $0x1;
	s14 =	sadd.s32 s7, s2  }
0xc: {  	s15 =	sadd.s32 s7, s3;
	s9 =	sadd.s32 s7, s9;
	s10 =	sadd.s32 s10, s5  }
0xd: {  	s11 =	ssub.s32 s6, s11;
	s6 =	sor.u32 $0x1C02, s31;
	s9 =	sshrl.u32 s9, $0x3  }
0xe: {  	s12 =	sadd.s32 s8, s5;
	s7 =	sadd.s32 $0x2800, s10;
	s11 =	smax.u32 s11, $0x1  }
0xf: {  	s13 =	sadd.s32 s9, s5;
	s5 =	sadd.s32 $0x2A000, s10;
	s8 =	sadd.s32 $0x16400, s12  }
0x10: {  	s9 =	sadd.s32 $0x20200, s12;
	s12 =	sshrl.u32 s14, $0x3;
	s14 =	sshrl.u32 s15, $0x3  }
0x11: {  	s15 =	simm.s32 $0x2760;
	s10 =	sadd.s32 $0x3DC00, s13;
	s13 =	simm.s32 $0x2  }
.LBB2_1:
0x12: {  	[spmem:s12], [sflag:s6] =	dma.local [hbm:s5], $0x13C0  }
0x13: {  	_ =	swait.ge [sflag:s13], $0x13C0  }
0x14: {  	[sflag:s13] =	ssyncset.done $0x0  }
0x15: {  	[sflag:s13] =	ssyncadd.s32 $0xFFFFEC40  }
0x16: {  	[spmem:s14], [sflag:s6] =	dma.local [hbm:s7], $0x13C0  }
0x17: {  	_ =	swait.ge [sflag:s13], $0x13C0  }
0x18: {  	[sflag:s13] =	ssyncset.done $0x0  }
0x19: {  	[sflag:s13] =	ssyncadd.s32 $0xFFFFEC40  }
0x1a: {  	[tilespmem:s4], [sflag:$0x2] =	stream.linear.gather [hbm4b:s8+s4], $0x2760, $0x38;
	[tilespmem:$0x19EC0] =	vst v63  }
0x1b: {  	_ =	swait.ge [sflag:s13], $0x2760  }
0x1c: {  	[sflag:s13] =	ssyncset.done $0x0  }
0x1d: {  	[sflag:s13] =	ssyncadd.s32 $0xFFFFD8A0  }
0x1e: {  	[tilespmem:s15], [sflag:$0x2] =	stream.linear.gather [hbm4b:s9+s4], $0x2760, $0x38;
	[tilespmem:$0x19EC0] =	vst v63  }
0x1f: {  	_ =	swait.ge [sflag:s13], $0x2760  }
0x20: {  	[sflag:s13] =	ssyncset.done $0x0  }
0x21: {  	[sflag:s13] =	ssyncadd.s32 $0xFFFFD8A0  }
0x22: {  	[bflag:$0x0] =	sbarrier.arrive $0xFFFF  }
0x23: {  	[tilespmem:s17], [sflag:$0x1] =	stream.indirect.gather [spmem:s3], $0x40, s4, s16, $0xb8;
	[tilespmem:$0x19EC0] =	vst v63  }
0x24: {  	_ =	swait.ge [sflag:s18], $0x1400  }
0x25: {  	[sflag:s18] =	ssyncset.done $0x0  }
0x26: {  	s20 =	simm.s32 $0x2760;
	[sflag:s18] =	ssyncadd.s32 $0xFFFFEC00  }
0x27: {  	[spmem:s2] =	stream.indirect.scatter.add.f32 [tilespmem:s17], [sflag:$0x2], $0x40, s20, s16, $0xb8;
	[tilespmem:$0x19EC0] =	vst v63  }
0x28: {  	_ =	swait.ge [sflag:s13], $0x1400  }
0x29: {  	[sflag:s13] =	ssyncset.done $0x0  }
0x2a: {  	s21 =	simm.s32 $0x50;
	s20 =	simm.s32 $0x140;
	[sflag:s13] =	ssyncadd.s32 $0xFFFFEC00  }
.LBB2_2:
0x2b: {  	[tilespmem:s17], [sflag:$0x1] =	stream.indirect.gather [spmem:s3], $0x40, s21, s16, $0xb8;
	[tilespmem:$0x19EC0] =	vst v63  }
0x2c: {  	s21 =	smov.u32 s20  }
0x2d: {  	p0 =	sne.s32 s20, $0x9B00;
	s20 =	sadd.s32 $0x140, s20;
	_ =	swait.ge [sflag:s18], $0x1400  }
0x2e: {  	s21 =	sshra.s32 s21, $0x2;
	[sflag:s18] =	ssyncset.done $0x0  }
.Ltmp0:
0x2f: {  	s22 =	sadd.s32 $0x2760, s21;
	[sflag:s18] =	ssyncadd.s32 $0xFFFFEC00;
	(pc) =	sbr.rel @p0 .LBB2_2-.Ltmp0, $4  }
0x30: {  	[spmem:s2] =	stream.indirect.scatter.add.f32 [tilespmem:s17], [sflag:$0x2], $0x40, s22, s16, $0xb8;
	[tilespmem:$0x19EC0] =	vst v63  }
0x31: {  	_ =	swait.ge [sflag:s13], $0x1400  }
0x32: {  	[sflag:s13] =	ssyncset.done $0x0  }
0x33: {  	s21 =	sadd.s32 $0x50, s21;
	[sflag:s13] =	ssyncadd.s32 $0xFFFFEC00  }
0x34: {  	[tilespmem:s17], [sflag:$0x1] =	stream.indirect.gather [spmem:s3], $0x40, s21, s16, $0xb8;
	[tilespmem:$0x19EC0] =	vst v63  }
0x35: {  	_ =	swait.ge [sflag:s18], $0x1400  }
0x36: {  	s19 =	sadd.s32 $0x1, s19;
	[sflag:s18] =	ssyncset.done $0x0  }
0x37: {  	p0 =	sne.s32 s19, s11;
	[sflag:s18] =	ssyncadd.s32 $0xFFFFEC00  }
.Ltmp1:
0x38: {  	[bflag:$0x0] =	sbarrier.arrive $0xFFFF;
	(pc) =	sbr.rel @p0 .LBB2_1-.Ltmp1, $4  }
0x39: {  	[hbm:s10], [sflag:s6] =	dma.local [spmem:s12], $0x13C0  }
0x3a: {  	_ =	swait.ge [sflag:s13], $0x13C0  }
0x3b: {  	[sflag:s13] =	ssyncset.done $0x0  }
0x3c: {  	[sflag:s13] =	ssyncadd.s32 $0xFFFFEC40  }
0x3d: {  	_ =	sfence.sel $0x180000  }
0x3e: {  	[bflag:$0x0] =	sbarrier.arrive $0xFFFF  }
0x3f: {  	p0 =	sne.s32 s1, $0x0;
	_ =	strace $0x90000047  }
0x40: {  	s0 =	sadd.s32 @!p0 $0x100000, s0;
	[bflag:$0x2] =	sbarrier.arrive $0xFFFF  }
0x41: {  	[sflag:s0] =	ssyncadd.tile.s32 @!p0 $0x1;
	_ =	shalt  }
.Lfunc_end2:
_tile_overlayer_lowered:
.L_overlay_start_2:
0x42: {  	(tag) =	ssettag $0x2  }
0x43: {  	s0 =	rddreg [dreg:$0x0];
	s2 =	stileid.u32  }
0x44: {  	s1 =	rddreg [dreg:$0x1];
	p0 =	sne.s32 s2, $0x0  }
0x45: {  	s3 =	rddreg [dreg:$0x2];
	[bflag:$0x3] =	sbarrier.arrive $0xFFFF;
	s2 =	simm.s32 @!p0 $0x1C02  }
0x46: {  	[timem:s3], [sflag:s2] =	dma.local @!p0 [hbm:s0], s1  }
0x47: {  	s0 =	simm.s32 @!p0 $0x2  }
0x48: {  	_ =	swait.ge @!p0 [sflag:s0], s1  }
0x49: {  	s1 =	ssub.s32 @!p0 $0x0, s1;
	[sflag:s0] =	ssyncset.done @!p0 $0x0  }
0x4a: {  	[sflag:s0] =	ssyncadd.s32 @!p0 s1  }
0x4b: {  	[bflag:$0x3] =	sbarrier.arrive $0xFFFF  }
0x4c: {  	_ =	shalt  }

</sc_bundles>
